<compile_context>
chip_gen: v7x
topology: tpu7x:2x2x1
jax: 0.10.2.dev20260603
libtpu: 0.0.44.dev20260713+nightly
codegen_flags: <defaults>
</compile_context>

<pallas_src>
import jax
import jax.numpy as jnp
from jax import lax
from jax.experimental import pallas as pl
from jax.experimental.pallas import tpu as pltpu
from jax.experimental.pallas import tpu_sc as plsc

MAXLEN = 200
EMBED = 64
BATCH = 4096
NC = 2
NS = 16
NW = NC * NS
SEQ_PER_W = BATCH // NW
ROWS = BATCH * MAXLEN
VOCAB = 1000000
XPAD = 208
PARTS = ((0, 104), (104, 96))


def _body(xf, tokp, pos, out, xb0, xb1, r0, r1, pos_v,
          is0, is1, gs0, gs1, ss0, ss1):
    wid = lax.axis_index("s") * NC + lax.axis_index("c")
    chunk0 = wid * SEQ_PER_W
    pltpu.sync_copy(pos, pos_v)

    bufs = ((xb0, r0, is0, gs0, ss0), (xb1, r1, is1, gs1, ss1))

    def stage_a(g, b):
        xblk, _, isem, _, _ = bufs[b]
        gg = lax.min(g, SEQ_PER_W - 1)
        flat0 = (chunk0 + gg) * MAXLEN
        pltpu.async_copy(xf.at[pl.ds(flat0, MAXLEN)],
                         xblk.at[pl.ds(0, MAXLEN)], isem)

    def stage_b(g, b, wait_store):
        xblk, rows, isem, gsem, ssem = bufs[b]
        gg = lax.min(g, SEQ_PER_W - 1)
        flat0 = (chunk0 + gg) * MAXLEN
        if wait_store:
            pltpu.make_async_copy(
                rows, out.at[pl.ds(flat0, MAXLEN), pl.ds(0, EMBED)],
                ssem).wait()
        pltpu.make_async_copy(xf.at[pl.ds(0, MAXLEN)],
                              xblk.at[pl.ds(0, MAXLEN)], isem).wait()
        for o, n in PARTS:
            pltpu.async_copy(
                tokp.at[xblk.at[pl.ds(o, n)]],
                rows.at[pl.ds(o, n)], gsem)

    def stage_c(g, b):
        xblk, rows, _, gsem, ssem = bufs[b]
        flat0 = (chunk0 + g) * MAXLEN
        for o, n in PARTS:
            pltpu.make_async_copy(
                tokp.at[xblk.at[pl.ds(o, n)]],
                rows.at[pl.ds(o, n)], gsem).wait()

        def addl(k, carry):
            for u in range(4):
                r = k * 4 + u
                for d in range(EMBED // 16):
                    sl = pl.ds(d * 16, 16)
                    rows[r, sl] = rows[r, sl] + pos_v[r, sl]
            return carry

        lax.fori_loop(0, MAXLEN // 4, addl, 0)
        pltpu.async_copy(rows,
                         out.at[pl.ds(flat0, MAXLEN), pl.ds(0, EMBED)], ssem)

    stage_a(0, 0)
    stage_a(1, 1)
    stage_b(0, 0, False)
    stage_b(1, 1, False)

    def pair(h, carry):
        g = 2 * h
        stage_c(g, 0)
        stage_a(g + 2, 0)
        stage_b(g + 2, 0, True)
        stage_c(g + 1, 1)
        stage_a(g + 3, 1)
        stage_b(g + 3, 1, True)
        return carry

    lax.fori_loop(0, SEQ_PER_W // 2, pair, 0)

    for b in (0, 1):
        xblk, rows, _, gsem, _ = bufs[b]
        for o, n in PARTS:
            pltpu.make_async_copy(
                tokp.at[xblk.at[pl.ds(o, n)]],
                rows.at[pl.ds(o, n)], gsem).wait()


@jax.jit
def _run(xf, tokp, pos):
    mesh = plsc.VectorSubcoreMesh(core_axis_name="c", subcore_axis_name="s")
    f = pl.kernel(
        _body,
        out_type=jax.ShapeDtypeStruct((ROWS, 2 * EMBED), jnp.float32),
        mesh=mesh,
        scratch_types=[
            pltpu.VMEM((XPAD,), jnp.int32),
            pltpu.VMEM((XPAD,), jnp.int32),
            pltpu.VMEM((MAXLEN, EMBED), jnp.float32),
            pltpu.VMEM((MAXLEN, EMBED), jnp.float32),
            pltpu.VMEM((MAXLEN, EMBED), jnp.float32),
            pltpu.SemaphoreType.DMA,
            pltpu.SemaphoreType.DMA,
            pltpu.SemaphoreType.DMA,
            pltpu.SemaphoreType.DMA,
            pltpu.SemaphoreType.DMA,
            pltpu.SemaphoreType.DMA,
        ],
        compiler_params=pltpu.CompilerParams(use_tc_tiling_on_sc=False),
    )
    return f(xf, tokp, pos)


def kernel(x, token_table, pos_table):
    xf = x.astype(jnp.int32).reshape(ROWS)
    out128 = _run(xf, token_table, pos_table)
    out = lax.slice(out128, (0, 0), (ROWS, EMBED))
    return out.reshape(BATCH, MAXLEN, EMBED)

# --- scband reference (transcript-rebuilt; emitter-appended) ---
"""Pipeline reference for scband-token-and-position-embedding-48275432407847 (READ-ONLY COPY).

The authoritative reference and input builder live on the scoring server;
editing this copy changes nothing except your own understanding.
"""

import jax, jax.numpy as jnp
import numpy as np

MAXLEN = 200
VOCAB = 1000000
EMBED_DIM = 64
BATCH = 4096

def setup_inputs(seed: int = 0) -> dict:
    key = jax.random.key(seed)
    k1, k2, k3 = jax.random.split(key, 3)
    x = jax.random.randint(k1, (BATCH, MAXLEN), 0, VOCAB, dtype=jnp.int64 if jax.config.jax_enable_x64 else jnp.int32)
    token_table = jax.random.normal(k2, (VOCAB, EMBED_DIM), dtype=jnp.float32) * 0.05
    pos_table = jax.random.normal(k3, (MAXLEN, EMBED_DIM), dtype=jnp.float32) * 0.05
    return {"x": x, "token_table": token_table, "pos_table": pos_table}

def reference(x, token_table, pos_table):
    # token embedding lookup: gather rows of token_table by x
    tok = jnp.take(token_table, x, axis=0)            # [B, L, D]
    # position embedding: positions = arange(L)
    positions = jnp.arange(x.shape[-1])
    pos = jnp.take(pos_table, positions, axis=0)      # [L, D]
    return tok + pos[None, :, :]

if __name__ == "__main__":
    import jax
    _d = setup_inputs()
    print(jax.jit(kernel)(*tuple(_d.values())))

</pallas_src>

<mosaic_0001>
#map = affine_map<(d0, d1) -> (0)>
#map1 = affine_map<(d0, d1) -> (0, 0)>
module attributes {stable_mosaic.version = 14 : i64} {
  func.func @_body(%arg0: i32, %arg1: i32, %arg2: memref<819200xi32, #tpu.memory_space<hbm>>, %arg3: memref<1000000x64xf32, #tpu.memory_space<hbm>>, %arg4: memref<200x64xf32, #tpu.memory_space<hbm>>, %arg5: memref<819200x128xf32, #tpu.memory_space<hbm>>, %arg6: memref<208xi32, #tpu.memory_space<vmem>>, %arg7: memref<208xi32, #tpu.memory_space<vmem>>, %arg8: memref<200x64xf32, #tpu.memory_space<vmem>>, %arg9: memref<200x64xf32, #tpu.memory_space<vmem>>, %arg10: memref<200x64xf32, #tpu.memory_space<vmem>>, %arg11: memref<!tpu.dma_semaphore, #tpu.memory_space<semaphore_mem>>, %arg12: memref<!tpu.dma_semaphore, #tpu.memory_space<semaphore_mem>>, %arg13: memref<!tpu.dma_semaphore, #tpu.memory_space<semaphore_mem>>, %arg14: memref<!tpu.dma_semaphore, #tpu.memory_space<semaphore_mem>>, %arg15: memref<!tpu.dma_semaphore, #tpu.memory_space<semaphore_mem>>, %arg16: memref<!tpu.dma_semaphore, #tpu.memory_space<semaphore_mem>>) attributes {dimension_semantics = [#tpu.dimension_semantics<core_parallel>, #tpu.dimension_semantics<subcore_parallel>], iteration_bounds = array<i64: 2, 16>, scalar_prefetch = 0 : i64, scratch_operands = 11 : i64, tpu.core_type = #tpu.core_type<sc_vector_subcore>, window_params = [{transform_indices = #map}, {transform_indices = #map1}, {transform_indices = #map1}, {transform_indices = #map1}]} {
    %mul3A = arith.constant 2 : i32
    %mul3A_0 = arith.muli %arg1, %mul3A : i32
    %add3A = arith.addi %mul3A_0, %arg0 : i32
    %mul3A_1 = arith.constant 128 : i32
    %mul3A_2 = arith.muli %add3A, %mul3A_1 : i32
    "tpu.region"() ({
      %run_scoped3A = tpu.sem_alloc : memref<!tpu.dma_semaphore, #tpu.memory_space<semaphore_mem>>
      tpu.enqueue_dma source(%arg4 : memref<200x64xf32, #tpu.memory_space<hbm>>) target(%arg10 : memref<200x64xf32, #tpu.memory_space<vmem>>) target_semaphore(%run_scoped3A : memref<!tpu.dma_semaphore, #tpu.memory_space<semaphore_mem>>)
      tpu.wait_dma2 semaphore(%run_scoped3A : memref<!tpu.dma_semaphore, #tpu.memory_space<semaphore_mem>>) src(%arg4 : memref<200x64xf32, #tpu.memory_space<hbm>>) dst(%arg10 : memref<200x64xf32, #tpu.memory_space<vmem>>)
      tpu.yield
    }) : () -> ()
    %min3A = arith.constant 0 : i32
    %min3A_3 = arith.constant 127 : i32
    %min3A_4 = arith.minsi %min3A, %min3A_3 : i32
    %add3A_5 = arith.addi %mul3A_2, %min3A_4 : i32
    %mul3A_6 = arith.constant 200 : i32
    %mul3A_7 = arith.muli %add3A_5, %mul3A_6 : i32
    %dma_start3A = arith.constant 0 : i32
    %dma_start3A_8 = tpu.memref_slice %arg6[%dma_start3A] : memref<208xi32, #tpu.memory_space<vmem>> -> memref<200xi32, #tpu.memory_space<vmem>>
    %dma_start3A_9 = tpu.memref_slice %arg2[%mul3A_7] : memref<819200xi32, #tpu.memory_space<hbm>> -> memref<200xi32, #tpu.memory_space<hbm>>
    %dma_start3A_10 = arith.constant 0 : i32
    %dma_start3A_11 = tpu.memref_slice %arg6[%dma_start3A_10] : memref<208xi32, #tpu.memory_space<vmem>> -> memref<200xi32, #tpu.memory_space<vmem>>
    %dma_start3A_12 = tpu.memref_slice %arg2[%mul3A_7] : memref<819200xi32, #tpu.memory_space<hbm>> -> memref<200xi32, #tpu.memory_space<hbm>>
    tpu.enqueue_dma source(%dma_start3A_12 : memref<200xi32, #tpu.memory_space<hbm>>) target(%dma_start3A_11 : memref<200xi32, #tpu.memory_space<vmem>>) target_semaphore(%arg11 : memref<!tpu.dma_semaphore, #tpu.memory_space<semaphore_mem>>)
    %min3A_13 = arith.constant 1 : i32
    %min3A_14 = arith.constant 127 : i32
    %min3A_15 = arith.minsi %min3A_13, %min3A_14 : i32
    %add3A_16 = arith.addi %mul3A_2, %min3A_15 : i32
    %mul3A_17 = arith.constant 200 : i32
    %mul3A_18 = arith.muli %add3A_16, %mul3A_17 : i32
    %dma_start3A_19 = arith.constant 0 : i32
    %dma_start3A_20 = tpu.memref_slice %arg7[%dma_start3A_19] : memref<208xi32, #tpu.memory_space<vmem>> -> memref<200xi32, #tpu.memory_space<vmem>>
    %dma_start3A_21 = tpu.memref_slice %arg2[%mul3A_18] : memref<819200xi32, #tpu.memory_space<hbm>> -> memref<200xi32, #tpu.memory_space<hbm>>
    %dma_start3A_22 = arith.constant 0 : i32
    %dma_start3A_23 = tpu.memref_slice %arg7[%dma_start3A_22] : memref<208xi32, #tpu.memory_space<vmem>> -> memref<200xi32, #tpu.memory_space<vmem>>
    %dma_start3A_24 = tpu.memref_slice %arg2[%mul3A_18] : memref<819200xi32, #tpu.memory_space<hbm>> -> memref<200xi32, #tpu.memory_space<hbm>>
    tpu.enqueue_dma source(%dma_start3A_24 : memref<200xi32, #tpu.memory_space<hbm>>) target(%dma_start3A_23 : memref<200xi32, #tpu.memory_space<vmem>>) target_semaphore(%arg12 : memref<!tpu.dma_semaphore, #tpu.memory_space<semaphore_mem>>)
    %min3A_25 = arith.constant 0 : i32
    %min3A_26 = arith.constant 127 : i32
    %min3A_27 = arith.minsi %min3A_25, %min3A_26 : i32
    %add3A_28 = arith.addi %mul3A_2, %min3A_27 : i32
    %mul3A_29 = arith.constant 200 : i32
    %mul3A_30 = arith.muli %add3A_28, %mul3A_29 : i32
    %dma_wait3A = arith.constant 0 : i32
    %dma_wait3A_31 = tpu.memref_slice %arg6[%dma_wait3A] : memref<208xi32, #tpu.memory_space<vmem>> -> memref<200xi32, #tpu.memory_space<vmem>>
    %dma_wait3A_32 = arith.constant 0 : i32
    %dma_wait3A_33 = tpu.memref_slice %arg2[%dma_wait3A_32] : memref<819200xi32, #tpu.memory_space<hbm>> -> memref<200xi32, #tpu.memory_space<hbm>>
    %dma_wait3A_34 = arith.constant 0 : i32
    %dma_wait3A_35 = tpu.memref_slice %arg6[%dma_wait3A_34] : memref<208xi32, #tpu.memory_space<vmem>> -> memref<200xi32, #tpu.memory_space<vmem>>
    %dma_wait3A_36 = arith.constant 0 : i32
    %dma_wait3A_37 = tpu.memref_slice %arg2[%dma_wait3A_36] : memref<819200xi32, #tpu.memory_space<hbm>> -> memref<200xi32, #tpu.memory_space<hbm>>
    tpu.wait_dma2 semaphore(%arg11 : memref<!tpu.dma_semaphore, #tpu.memory_space<semaphore_mem>>) src(%dma_wait3A_37 : memref<200xi32, #tpu.memory_space<hbm>>) dst(%dma_wait3A_35 : memref<200xi32, #tpu.memory_space<vmem>>)
    %dma_start3A_38 = arith.constant 0 : i32
    %dma_start3A_39 = arith.constant 0 : i32
    %dma_start3A_40 = tpu.memref_slice %arg8[%dma_start3A_38, %dma_start3A_39] : memref<200x64xf32, #tpu.memory_space<vmem>> -> memref<104x64xf32, #tpu.memory_space<vmem>>
    %dma_start3A_41 = arith.constant 0 : i32
    %dma_start3A_42 = tpu.memref_slice %arg6[%dma_start3A_41] : memref<208xi32, #tpu.memory_space<vmem>> -> memref<104xi32, #tpu.memory_space<vmem>>
    %dma_start3A_43 = arith.constant 0 : i32
    %dma_start3A_44 = arith.constant 0 : i32
    %dma_start3A_45 = tpu.memref_slice %arg3[%dma_start3A_43, %dma_start3A_44] : memref<1000000x64xf32, #tpu.memory_space<hbm>> -> memref<1000000x64xf32, #tpu.memory_space<hbm>>
    tpu.enqueue_indirect_dma source(%dma_start3A_45 : memref<1000000x64xf32, #tpu.memory_space<hbm>>) target(%dma_start3A_40 : memref<104x64xf32, #tpu.memory_space<vmem>>) offsets(%dma_start3A_42 : memref<104xi32, #tpu.memory_space<vmem>>) semaphore(%arg13 : memref<!tpu.dma_semaphore, #tpu.memory_space<semaphore_mem>>)
    %dma_start3A_46 = arith.constant 104 : i32
    %dma_start3A_47 = arith.constant 0 : i32
    %dma_start3A_48 = tpu.memref_slice %arg8[%dma_start3A_46, %dma_start3A_47] : memref<200x64xf32, #tpu.memory_space<vmem>> -> memref<96x64xf32, #tpu.memory_space<vmem>>
    %dma_start3A_49 = arith.constant 104 : i32
    %dma_start3A_50 = tpu.memref_slice %arg6[%dma_start3A_49] : memref<208xi32, #tpu.memory_space<vmem>> -> memref<96xi32, #tpu.memory_space<vmem>>
    %dma_start3A_51 = arith.constant 0 : i32
    %dma_start3A_52 = arith.constant 0 : i32
    %dma_start3A_53 = tpu.memref_slice %arg3[%dma_start3A_51, %dma_start3A_52] : memref<1000000x64xf32, #tpu.memory_space<hbm>> -> memref<1000000x64xf32, #tpu.memory_space<hbm>>
    tpu.enqueue_indirect_dma source(%dma_start3A_53 : memref<1000000x64xf32, #tpu.memory_space<hbm>>) target(%dma_start3A_48 : memref<96x64xf32, #tpu.memory_space<vmem>>) offsets(%dma_start3A_50 : memref<96xi32, #tpu.memory_space<vmem>>) semaphore(%arg13 : memref<!tpu.dma_semaphore, #tpu.memory_space<semaphore_mem>>)
    %min3A_54 = arith.constant 1 : i32
    %min3A_55 = arith.constant 127 : i32
    %min3A_56 = arith.minsi %min3A_54, %min3A_55 : i32
    %add3A_57 = arith.addi %mul3A_2, %min3A_56 : i32
    %mul3A_58 = arith.constant 200 : i32
    %mul3A_59 = arith.muli %add3A_57, %mul3A_58 : i32
    %dma_wait3A_60 = arith.constant 0 : i32
    %dma_wait3A_61 = tpu.memref_slice %arg7[%dma_wait3A_60] : memref<208xi32, #tpu.memory_space<vmem>> -> memref<200xi32, #tpu.memory_space<vmem>>
    %dma_wait3A_62 = arith.constant 0 : i32
    %dma_wait3A_63 = tpu.memref_slice %arg2[%dma_wait3A_62] : memref<819200xi32, #tpu.memory_space<hbm>> -> memref<200xi32, #tpu.memory_space<hbm>>
    %dma_wait3A_64 = arith.constant 0 : i32
    %dma_wait3A_65 = tpu.memref_slice %arg7[%dma_wait3A_64] : memref<208xi32, #tpu.memory_space<vmem>> -> memref<200xi32, #tpu.memory_space<vmem>>
    %dma_wait3A_66 = arith.constant 0 : i32
    %dma_wait3A_67 = tpu.memref_slice %arg2[%dma_wait3A_66] : memref<819200xi32, #tpu.memory_space<hbm>> -> memref<200xi32, #tpu.memory_space<hbm>>
    tpu.wait_dma2 semaphore(%arg12 : memref<!tpu.dma_semaphore, #tpu.memory_space<semaphore_mem>>) src(%dma_wait3A_67 : memref<200xi32, #tpu.memory_space<hbm>>) dst(%dma_wait3A_65 : memref<200xi32, #tpu.memory_space<vmem>>)
    %dma_start3A_68 = arith.constant 0 : i32
    %dma_start3A_69 = arith.constant 0 : i32
    %dma_start3A_70 = tpu.memref_slice %arg9[%dma_start3A_68, %dma_start3A_69] : memref<200x64xf32, #tpu.memory_space<vmem>> -> memref<104x64xf32, #tpu.memory_space<vmem>>
    %dma_start3A_71 = arith.constant 0 : i32
    %dma_start3A_72 = tpu.memref_slice %arg7[%dma_start3A_71] : memref<208xi32, #tpu.memory_space<vmem>> -> memref<104xi32, #tpu.memory_space<vmem>>
    %dma_start3A_73 = arith.constant 0 : i32
    %dma_start3A_74 = arith.constant 0 : i32
    %dma_start3A_75 = tpu.memref_slice %arg3[%dma_start3A_73, %dma_start3A_74] : memref<1000000x64xf32, #tpu.memory_space<hbm>> -> memref<1000000x64xf32, #tpu.memory_space<hbm>>
    tpu.enqueue_indirect_dma source(%dma_start3A_75 : memref<1000000x64xf32, #tpu.memory_space<hbm>>) target(%dma_start3A_70 : memref<104x64xf32, #tpu.memory_space<vmem>>) offsets(%dma_start3A_72 : memref<104xi32, #tpu.memory_space<vmem>>) semaphore(%arg14 : memref<!tpu.dma_semaphore, #tpu.memory_space<semaphore_mem>>)
    %dma_start3A_76 = arith.constant 104 : i32
    %dma_start3A_77 = arith.constant 0 : i32
    %dma_start3A_78 = tpu.memref_slice %arg9[%dma_start3A_76, %dma_start3A_77] : memref<200x64xf32, #tpu.memory_space<vmem>> -> memref<96x64xf32, #tpu.memory_space<vmem>>
    %dma_start3A_79 = arith.constant 104 : i32
    %dma_start3A_80 = tpu.memref_slice %arg7[%dma_start3A_79] : memref<208xi32, #tpu.memory_space<vmem>> -> memref<96xi32, #tpu.memory_space<vmem>>
    %dma_start3A_81 = arith.constant 0 : i32
    %dma_start3A_82 = arith.constant 0 : i32
    %dma_start3A_83 = tpu.memref_slice %arg3[%dma_start3A_81, %dma_start3A_82] : memref<1000000x64xf32, #tpu.memory_space<hbm>> -> memref<1000000x64xf32, #tpu.memory_space<hbm>>
    tpu.enqueue_indirect_dma source(%dma_start3A_83 : memref<1000000x64xf32, #tpu.memory_space<hbm>>) target(%dma_start3A_78 : memref<96x64xf32, #tpu.memory_space<vmem>>) offsets(%dma_start3A_80 : memref<96xi32, #tpu.memory_space<vmem>>) semaphore(%arg14 : memref<!tpu.dma_semaphore, #tpu.memory_space<semaphore_mem>>)
    %scan3A = arith.constant 0 : i32
    %scan3A_84 = arith.constant 0 : i32
    %scan3A_85 = arith.constant 64 : i32
    %scan3A_86 = arith.addi %scan3A_84, %scan3A_85 : i32
    %scan3A_87 = arith.constant 1 : i32
    scf.for %scan3A_121 = %scan3A_84 to %scan3A_86 step %scan3A_87  : i32 {
      %mul3A_122 = arith.constant 2 : i32
      %mul3A_123 = arith.muli %mul3A_122, %scan3A_121 : i32
      %add3A_124 = arith.addi %mul3A_2, %mul3A_123 : i32
      %mul3A_125 = arith.constant 200 : i32
      %mul3A_126 = arith.muli %add3A_124, %mul3A_125 : i32
      %dma_wait3A_127 = arith.constant 0 : i32
      %dma_wait3A_128 = arith.constant 0 : i32
      %dma_wait3A_129 = tpu.memref_slice %arg8[%dma_wait3A_127, %dma_wait3A_128] : memref<200x64xf32, #tpu.memory_space<vmem>> -> memref<104x64xf32, #tpu.memory_space<vmem>>
      %dma_wait3A_130 = arith.constant 0 : i32
      %dma_wait3A_131 = tpu.memref_slice %arg6[%dma_wait3A_130] : memref<208xi32, #tpu.memory_space<vmem>> -> memref<104xi32, #tpu.memory_space<vmem>>
      %dma_wait3A_132 = arith.constant 0 : i32
      %dma_wait3A_133 = arith.constant 0 : i32
      %dma_wait3A_134 = tpu.memref_slice %arg3[%dma_wait3A_132, %dma_wait3A_133] : memref<1000000x64xf32, #tpu.memory_space<hbm>> -> memref<1000000x64xf32, #tpu.memory_space<hbm>>
      tpu.wait_indirect_dma semaphore(%arg13 : memref<!tpu.dma_semaphore, #tpu.memory_space<semaphore_mem>>) src(%dma_wait3A_134 : memref<1000000x64xf32, #tpu.memory_space<hbm>>) dst(%dma_wait3A_129 : memref<104x64xf32, #tpu.memory_space<vmem>>)
      %dma_wait3A_135 = arith.constant 104 : i32
      %dma_wait3A_136 = arith.constant 0 : i32
      %dma_wait3A_137 = tpu.memref_slice %arg8[%dma_wait3A_135, %dma_wait3A_136] : memref<200x64xf32, #tpu.memory_space<vmem>> -> memref<96x64xf32, #tpu.memory_space<vmem>>
      %dma_wait3A_138 = arith.constant 104 : i32
      %dma_wait3A_139 = tpu.memref_slice %arg6[%dma_wait3A_138] : memref<208xi32, #tpu.memory_space<vmem>> -> memref<96xi32, #tpu.memory_space<vmem>>
      %dma_wait3A_140 = arith.constant 0 : i32
      %dma_wait3A_141 = arith.constant 0 : i32
      %dma_wait3A_142 = tpu.memref_slice %arg3[%dma_wait3A_140, %dma_wait3A_141] : memref<1000000x64xf32, #tpu.memory_space<hbm>> -> memref<1000000x64xf32, #tpu.memory_space<hbm>>
      tpu.wait_indirect_dma semaphore(%arg13 : memref<!tpu.dma_semaphore, #tpu.memory_space<semaphore_mem>>) src(%dma_wait3A_142 : memref<1000000x64xf32, #tpu.memory_space<hbm>>) dst(%dma_wait3A_137 : memref<96x64xf32, #tpu.memory_space<vmem>>)
      %scan3A_143 = arith.constant 0 : i32
      %scan3A_144 = arith.constant 0 : i32
      %scan3A_145 = arith.constant 50 : i32
      %scan3A_146 = arith.addi %scan3A_144, %scan3A_145 : i32
      %scan3A_147 = arith.constant 1 : i32
      scf.for %scan3A_280 = %scan3A_144 to %scan3A_146 step %scan3A_147  : i32 {
        %mul3A_281 = arith.constant 4 : i32
        %mul3A_282 = arith.muli %scan3A_280, %mul3A_281 : i32
        %add3A_283 = arith.constant 0 : i32
        %add3A_284 = arith.addi %mul3A_282, %add3A_283 : i32
        %get3A = arith.index_cast %add3A_284 : i32 to index
        %get3A_285 = arith.constant 0 : index
        %get3A_286 = tpu.vector_load %arg8[%get3A, %get3A_285] {strides = array<i32>} : memref<200x64xf32, #tpu.memory_space<vmem>>, vector<1x16xf32>,
        %get3A_287 = vector.shape_cast %get3A_286 : vector<1x16xf32> to vector<16xf32>
        %get3A_288 = arith.index_cast %add3A_284 : i32 to index
        %get3A_289 = arith.constant 0 : index
        %get3A_290 = tpu.vector_load %arg10[%get3A_288, %get3A_289] {strides = array<i32>} : memref<200x64xf32, #tpu.memory_space<vmem>>, vector<1x16xf32>,
        %get3A_291 = vector.shape_cast %get3A_290 : vector<1x16xf32> to vector<16xf32>
        %add3A_292 = arith.addf %get3A_287, %get3A_291 : vector<16xf32>
        %swap3A = arith.index_cast %add3A_284 : i32 to index
        %swap3A_293 = arith.constant 0 : index
        %swap3A_294 = tpu.vector_load %arg8[%swap3A, %swap3A_293] {strides = array<i32>} : memref<200x64xf32, #tpu.memory_space<vmem>>, vector<1x16xf32>,
        %swap3A_295 = vector.shape_cast %swap3A_294 : vector<1x16xf32> to vector<16xf32>
        %swap3A_296 = vector.shape_cast %add3A_292 : vector<16xf32> to vector<1x16xf32>
        tpu.vector_store %arg8[%swap3A, %swap3A_293], %swap3A_296 {strides = array<i32>} : memref<200x64xf32, #tpu.memory_space<vmem>>, vector<1x16xf32>,
        %get3A_297 = arith.index_cast %add3A_284 : i32 to index
        %get3A_298 = arith.constant 16 : index
        %get3A_299 = tpu.vector_load %arg8[%get3A_297, %get3A_298] {strides = array<i32>} : memref<200x64xf32, #tpu.memory_space<vmem>>, vector<1x16xf32>,
        %get3A_300 = vector.shape_cast %get3A_299 : vector<1x16xf32> to vector<16xf32>
        %get3A_301 = arith.index_cast %add3A_284 : i32 to index
        %get3A_302 = arith.constant 16 : index
        %get3A_303 = tpu.vector_load %arg10[%get3A_301, %get3A_302] {strides = array<i32>} : memref<200x64xf32, #tpu.memory_space<vmem>>, vector<1x16xf32>,
        %get3A_304 = vector.shape_cast %get3A_303 : vector<1x16xf32> to vector<16xf32>
        %add3A_305 = arith.addf %get3A_300, %get3A_304 : vector<16xf32>
        %swap3A_306 = arith.index_cast %add3A_284 : i32 to index
        %swap3A_307 = arith.constant 16 : index
        %swap3A_308 = tpu.vector_load %arg8[%swap3A_306, %swap3A_307] {strides = array<i32>} : memref<200x64xf32, #tpu.memory_space<vmem>>, vector<1x16xf32>,
        %swap3A_309 = vector.shape_cast %swap3A_308 : vector<1x16xf32> to vector<16xf32>
        %swap3A_310 = vector.shape_cast %add3A_305 : vector<16xf32> to vector<1x16xf32>
        tpu.vector_store %arg8[%swap3A_306, %swap3A_307], %swap3A_310 {strides = array<i32>} : memref<200x64xf32, #tpu.memory_space<vmem>>, vector<1x16xf32>,
        %get3A_311 = arith.index_cast %add3A_284 : i32 to index
        %get3A_312 = arith.constant 32 : index
        %get3A_313 = tpu.vector_load %arg8[%get3A_311, %get3A_312] {strides = array<i32>} : memref<200x64xf32, #tpu.memory_space<vmem>>, vector<1x16xf32>,
        %get3A_314 = vector.shape_cast %get3A_313 : vector<1x16xf32> to vector<16xf32>
        %get3A_315 = arith.index_cast %add3A_284 : i32 to index
        %get3A_316 = arith.constant 32 : index
        %get3A_317 = tpu.vector_load %arg10[%get3A_315, %get3A_316] {strides = array<i32>} : memref<200x64xf32, #tpu.memory_space<vmem>>, vector<1x16xf32>,
        %get3A_318 = vector.shape_cast %get3A_317 : vector<1x16xf32> to vector<16xf32>
        %add3A_319 = arith.addf %get3A_314, %get3A_318 : vector<16xf32>
        %swap3A_320 = arith.index_cast %add3A_284 : i32 to index
        %swap3A_321 = arith.constant 32 : index
        %swap3A_322 = tpu.vector_load %arg8[%swap3A_320, %swap3A_321] {strides = array<i32>} : memref<200x64xf32, #tpu.memory_space<vmem>>, vector<1x16xf32>,
        %swap3A_323 = vector.shape_cast %swap3A_322 : vector<1x16xf32> to vector<16xf32>
        %swap3A_324 = vector.shape_cast %add3A_319 : vector<16xf32> to vector<1x16xf32>
        tpu.vector_store %arg8[%swap3A_320, %swap3A_321], %swap3A_324 {strides = array<i32>} : memref<200x64xf32, #tpu.memory_space<vmem>>, vector<1x16xf32>,
        %get3A_325 = arith.index_cast %add3A_284 : i32 to index
        %get3A_326 = arith.constant 48 : index
        %get3A_327 = tpu.vector_load %arg8[%get3A_325, %get3A_326] {strides = array<i32>} : memref<200x64xf32, #tpu.memory_space<vmem>>, vector<1x16xf32>,
        %get3A_328 = vector.shape_cast %get3A_327 : vector<1x16xf32> to vector<16xf32>
        %get3A_329 = arith.index_cast %add3A_284 : i32 to index
        %get3A_330 = arith.constant 48 : index
        %get3A_331 = tpu.vector_load %arg10[%get3A_329, %get3A_330] {strides = array<i32>} : memref<200x64xf32, #tpu.memory_space<vmem>>, vector<1x16xf32>,
        %get3A_332 = vector.shape_cast %get3A_331 : vector<1x16xf32> to vector<16xf32>
        %add3A_333 = arith.addf %get3A_328, %get3A_332 : vector<16xf32>
        %swap3A_334 = arith.index_cast %add3A_284 : i32 to index
        %swap3A_335 = arith.constant 48 : index
        %swap3A_336 = tpu.vector_load %arg8[%swap3A_334, %swap3A_335] {strides = array<i32>} : memref<200x64xf32, #tpu.memory_space<vmem>>, vector<1x16xf32>,
        %swap3A_337 = vector.shape_cast %swap3A_336 : vector<1x16xf32> to vector<16xf32>
        %swap3A_338 = vector.shape_cast %add3A_333 : vector<16xf32> to vector<1x16xf32>
        tpu.vector_store %arg8[%swap3A_334, %swap3A_335], %swap3A_338 {strides = array<i32>} : memref<200x64xf32, #tpu.memory_space<vmem>>, vector<1x16xf32>,
        %mul3A_339 = arith.constant 4 : i32
        %mul3A_340 = arith.muli %scan3A_280, %mul3A_339 : i32
        %add3A_341 = arith.constant 1 : i32
        %add3A_342 = arith.addi %mul3A_340, %add3A_341 : i32
        %get3A_343 = arith.index_cast %add3A_342 : i32 to index
        %get3A_344 = arith.constant 0 : index
        %get3A_345 = tpu.vector_load %arg8[%get3A_343, %get3A_344] {strides = array<i32>} : memref<200x64xf32, #tpu.memory_space<vmem>>, vector<1x16xf32>,
        %get3A_346 = vector.shape_cast %get3A_345 : vector<1x16xf32> to vector<16xf32>
        %get3A_347 = arith.index_cast %add3A_342 : i32 to index
        %get3A_348 = arith.constant 0 : index
        %get3A_349 = tpu.vector_load %arg10[%get3A_347, %get3A_348] {strides = array<i32>} : memref<200x64xf32, #tpu.memory_space<vmem>>, vector<1x16xf32>,
        %get3A_350 = vector.shape_cast %get3A_349 : vector<1x16xf32> to vector<16xf32>
        %add3A_351 = arith.addf %get3A_346, %get3A_350 : vector<16xf32>
        %swap3A_352 = arith.index_cast %add3A_342 : i32 to index
        %swap3A_353 = arith.constant 0 : index
        %swap3A_354 = tpu.vector_load %arg8[%swap3A_352, %swap3A_353] {strides = array<i32>} : memref<200x64xf32, #tpu.memory_space<vmem>>, vector<1x16xf32>,
        %swap3A_355 = vector.shape_cast %swap3A_354 : vector<1x16xf32> to vector<16xf32>
        %swap3A_356 = vector.shape_cast %add3A_351 : vector<16xf32> to vector<1x16xf32>
        tpu.vector_store %arg8[%swap3A_352, %swap3A_353], %swap3A_356 {strides = array<i32>} : memref<200x64xf32, #tpu.memory_space<vmem>>, vector<1x16xf32>,
        %get3A_357 = arith.index_cast %add3A_342 : i32 to index
        %get3A_358 = arith.constant 16 : index
        %get3A_359 = tpu.vector_load %arg8[%get3A_357, %get3A_358] {strides = array<i32>} : memref<200x64xf32, #tpu.memory_space<vmem>>, vector<1x16xf32>,
        %get3A_360 = vector.shape_cast %get3A_359 : vector<1x16xf32> to vector<16xf32>
        %get3A_361 = arith.index_cast %add3A_342 : i32 to index
        %get3A_362 = arith.constant 16 : index
        %get3A_363 = tpu.vector_load %arg10[%get3A_361, %get3A_362] {strides = array<i32>} : memref<200x64xf32, #tpu.memory_space<vmem>>, vector<1x16xf32>,
        %get3A_364 = vector.shape_cast %get3A_363 : vector<1x16xf32> to vector<16xf32>
        %add3A_365 = arith.addf %get3A_360, %get3A_364 : vector<16xf32>
        %swap3A_366 = arith.index_cast %add3A_342 : i32 to index
        %swap3A_367 = arith.constant 16 : index
        %swap3A_368 = tpu.vector_load %arg8[%swap3A_366, %swap3A_367] {strides = array<i32>} : memref<200x64xf32, #tpu.memory_space<vmem>>, vector<1x16xf32>,
        %swap3A_369 = vector.shape_cast %swap3A_368 : vector<1x16xf32> to vector<16xf32>
        %swap3A_370 = vector.shape_cast %add3A_365 : vector<16xf32> to vector<1x16xf32>
        tpu.vector_store %arg8[%swap3A_366, %swap3A_367], %swap3A_370 {strides = array<i32>} : memref<200x64xf32, #tpu.memory_space<vmem>>, vector<1x16xf32>,
        %get3A_371 = arith.index_cast %add3A_342 : i32 to index
        %get3A_372 = arith.constant 32 : index
        %get3A_373 = tpu.vector_load %arg8[%get3A_371, %get3A_372] {strides = array<i32>} : memref<200x64xf32, #tpu.memory_space<vmem>>, vector<1x16xf32>,
        %get3A_374 = vector.shape_cast %get3A_373 : vector<1x16xf32> to vector<16xf32>
        %get3A_375 = arith.index_cast %add3A_342 : i32 to index
        %get3A_376 = arith.constant 32 : index
        %get3A_377 = tpu.vector_load %arg10[%get3A_375, %get3A_376] {strides = array<i32>} : memref<200x64xf32, #tpu.memory_space<vmem>>, vector<1x16xf32>,
        %get3A_378 = vector.shape_cast %get3A_377 : vector<1x16xf32> to vector<16xf32>
        %add3A_379 = arith.addf %get3A_374, %get3A_378 : vector<16xf32>
        %swap3A_380 = arith.index_cast %add3A_342 : i32 to index
        %swap3A_381 = arith.constant 32 : index
        %swap3A_382 = tpu.vector_load %arg8[%swap3A_380, %swap3A_381] {strides = array<i32>} : memref<200x64xf32, #tpu.memory_space<vmem>>, vector<1x16xf32>,
        %swap3A_383 = vector.shape_cast %swap3A_382 : vector<1x16xf32> to vector<16xf32>
        %swap3A_384 = vector.shape_cast %add3A_379 : vector<16xf32> to vector<1x16xf32>
        tpu.vector_store %arg8[%swap3A_380, %swap3A_381], %swap3A_384 {strides = array<i32>} : memref<200x64xf32, #tpu.memory_space<vmem>>, vector<1x16xf32>,
        %get3A_385 = arith.index_cast %add3A_342 : i32 to index
        %get3A_386 = arith.constant 48 : index
        %get3A_387 = tpu.vector_load %arg8[%get3A_385, %get3A_386] {strides = array<i32>} : memref<200x64xf32, #tpu.memory_space<vmem>>, vector<1x16xf32>,
        %get3A_388 = vector.shape_cast %get3A_387 : vector<1x16xf32> to vector<16xf32>
        %get3A_389 = arith.index_cast %add3A_342 : i32 to index
        %get3A_390 = arith.constant 48 : index
        %get3A_391 = tpu.vector_load %arg10[%get3A_389, %get3A_390] {strides = array<i32>} : memref<200x64xf32, #tpu.memory_space<vmem>>, vector<1x16xf32>,
        %get3A_392 = vector.shape_cast %get3A_391 : vector<1x16xf32> to vector<16xf32>
        %add3A_393 = arith.addf %get3A_388, %get3A_392 : vector<16xf32>
        %swap3A_394 = arith.index_cast %add3A_342 : i32 to index
        %swap3A_395 = arith.constant 48 : index
        %swap3A_396 = tpu.vector_load %arg8[%swap3A_394, %swap3A_395] {strides = array<i32>} : memref<200x64xf32, #tpu.memory_space<vmem>>, vector<1x16xf32>,
        %swap3A_397 = vector.shape_cast %swap3A_396 : vector<1x16xf32> to vector<16xf32>
        %swap3A_398 = vector.shape_cast %add3A_393 : vector<16xf32> to vector<1x16xf32>
        tpu.vector_store %arg8[%swap3A_394, %swap3A_395], %swap3A_398 {strides = array<i32>} : memref<200x64xf32, #tpu.memory_space<vmem>>, vector<1x16xf32>,
        %mul3A_399 = arith.constant 4 : i32
        %mul3A_400 = arith.muli %scan3A_280, %mul3A_399 : i32
        %add3A_401 = arith.constant 2 : i32
        %add3A_402 = arith.addi %mul3A_400, %add3A_401 : i32
        %get3A_403 = arith.index_cast %add3A_402 : i32 to index
        %get3A_404 = arith.constant 0 : index
        %get3A_405 = tpu.vector_load %arg8[%get3A_403, %get3A_404] {strides = array<i32>} : memref<200x64xf32, #tpu.memory_space<vmem>>, vector<1x16xf32>,
        %get3A_406 = vector.shape_cast %get3A_405 : vector<1x16xf32> to vector<16xf32>
        %get3A_407 = arith.index_cast %add3A_402 : i32 to index
        %get3A_408 = arith.constant 0 : index
        %get3A_409 = tpu.vector_load %arg10[%get3A_407, %get3A_408] {strides = array<i32>} : memref<200x64xf32, #tpu.memory_space<vmem>>, vector<1x16xf32>,
        %get3A_410 = vector.shape_cast %get3A_409 : vector<1x16xf32> to vector<16xf32>
        %add3A_411 = arith.addf %get3A_406, %get3A_410 : vector<16xf32>
        %swap3A_412 = arith.index_cast %add3A_402 : i32 to index
        %swap3A_413 = arith.constant 0 : index
        %swap3A_414 = tpu.vector_load %arg8[%swap3A_412, %swap3A_413] {strides = array<i32>} : memref<200x64xf32, #tpu.memory_space<vmem>>, vector<1x16xf32>,
        %swap3A_415 = vector.shape_cast %swap3A_414 : vector<1x16xf32> to vector<16xf32>
        %swap3A_416 = vector.shape_cast %add3A_411 : vector<16xf32> to vector<1x16xf32>
        tpu.vector_store %arg8[%swap3A_412, %swap3A_413], %swap3A_416 {strides = array<i32>} : memref<200x64xf32, #tpu.memory_space<vmem>>, vector<1x16xf32>,
        %get3A_417 = arith.index_cast %add3A_402 : i32 to index
        %get3A_418 = arith.constant 16 : index
        %get3A_419 = tpu.vector_load %arg8[%get3A_417, %get3A_418] {strides = array<i32>} : memref<200x64xf32, #tpu.memory_space<vmem>>, vector<1x16xf32>,
        %get3A_420 = vector.shape_cast %get3A_419 : vector<1x16xf32> to vector<16xf32>
        %get3A_421 = arith.index_cast %add3A_402 : i32 to index
        %get3A_422 = arith.constant 16 : index
        %get3A_423 = tpu.vector_load %arg10[%get3A_421, %get3A_422] {strides = array<i32>} : memref<200x64xf32, #tpu.memory_space<vmem>>, vector<1x16xf32>,
        %get3A_424 = vector.shape_cast %get3A_423 : vector<1x16xf32> to vector<16xf32>
        %add3A_425 = arith.addf %get3A_420, %get3A_424 : vector<16xf32>
        %swap3A_426 = arith.index_cast %add3A_402 : i32 to index
        %swap3A_427 = arith.constant 16 : index
        %swap3A_428 = tpu.vector_load %arg8[%swap3A_426, %swap3A_427] {strides = array<i32>} : memref<200x64xf32, #tpu.memory_space<vmem>>, vector<1x16xf32>,
        %swap3A_429 = vector.shape_cast %swap3A_428 : vector<1x16xf32> to vector<16xf32>
        %swap3A_430 = vector.shape_cast %add3A_425 : vector<16xf32> to vector<1x16xf32>
        tpu.vector_store %arg8[%swap3A_426, %swap3A_427], %swap3A_430 {strides = array<i32>} : memref<200x64xf32, #tpu.memory_space<vmem>>, vector<1x16xf32>,
        %get3A_431 = arith.index_cast %add3A_402 : i32 to index
        %get3A_432 = arith.constant 32 : index
        %get3A_433 = tpu.vector_load %arg8[%get3A_431, %get3A_432] {strides = array<i32>} : memref<200x64xf32, #tpu.memory_space<vmem>>, vector<1x16xf32>,
        %get3A_434 = vector.shape_cast %get3A_433 : vector<1x16xf32> to vector<16xf32>
        %get3A_435 = arith.index_cast %add3A_402 : i32 to index
        %get3A_436 = arith.constant 32 : index
        %get3A_437 = tpu.vector_load %arg10[%get3A_435, %get3A_436] {strides = array<i32>} : memref<200x64xf32, #tpu.memory_space<vmem>>, vector<1x16xf32>,
        %get3A_438 = vector.shape_cast %get3A_437 : vector<1x16xf32> to vector<16xf32>
        %add3A_439 = arith.addf %get3A_434, %get3A_438 : vector<16xf32>
        %swap3A_440 = arith.index_cast %add3A_402 : i32 to index
        %swap3A_441 = arith.constant 32 : index
        %swap3A_442 = tpu.vector_load %arg8[%swap3A_440, %swap3A_441] {strides = array<i32>} : memref<200x64xf32, #tpu.memory_space<vmem>>, vector<1x16xf32>,
        %swap3A_443 = vector.shape_cast %swap3A_442 : vector<1x16xf32> to vector<16xf32>
        %swap3A_444 = vector.shape_cast %add3A_439 : vector<16xf32> to vector<1x16xf32>
        tpu.vector_store %arg8[%swap3A_440, %swap3A_441], %swap3A_444 {strides = array<i32>} : memref<200x64xf32, #tpu.memory_space<vmem>>, vector<1x16xf32>,
        %get3A_445 = arith.index_cast %add3A_402 : i32 to index
        %get3A_446 = arith.constant 48 : index
        %get3A_447 = tpu.vector_load %arg8[%get3A_445, %get3A_446] {strides = array<i32>} : memref<200x64xf32, #tpu.memory_space<vmem>>, vector<1x16xf32>,
        %get3A_448 = vector.shape_cast %get3A_447 : vector<1x16xf32> to vector<16xf32>
        %get3A_449 = arith.index_cast %add3A_402 : i32 to index
        %get3A_450 = arith.constant 48 : index
        %get3A_451 = tpu.vector_load %arg10[%get3A_449, %get3A_450] {strides = array<i32>} : memref<200x64xf32, #tpu.memory_space<vmem>>, vector<1x16xf32>,
        %get3A_452 = vector.shape_cast %get3A_451 : vector<1x16xf32> to vector<16xf32>
        %add3A_453 = arith.addf %get3A_448, %get3A_452 : vector<16xf32>
        %swap3A_454 = arith.index_cast %add3A_402 : i32 to index
        %swap3A_455 = arith.constant 48 : index
        %swap3A_456 = tpu.vector_load %arg8[%swap3A_454, %swap3A_455] {strides = array<i32>} : memref<200x64xf32, #tpu.memory_space<vmem>>, vector<1x16xf32>,
        %swap3A_457 = vector.shape_cast %swap3A_456 : vector<1x16xf32> to vector<16xf32>
        %swap3A_458 = vector.shape_cast %add3A_453 : vector<16xf32> to vector<1x16xf32>
        tpu.vector_store %arg8[%swap3A_454, %swap3A_455], %swap3A_458 {strides = array<i32>} : memref<200x64xf32, #tpu.memory_space<vmem>>, vector<1x16xf32>,
        %mul3A_459 = arith.constant 4 : i32
        %mul3A_460 = arith.muli %scan3A_280, %mul3A_459 : i32
        %add3A_461 = arith.constant 3 : i32
        %add3A_462 = arith.addi %mul3A_460, %add3A_461 : i32
        %get3A_463 = arith.index_cast %add3A_462 : i32 to index
        %get3A_464 = arith.constant 0 : index
        %get3A_465 = tpu.vector_load %arg8[%get3A_463, %get3A_464] {strides = array<i32>} : memref<200x64xf32, #tpu.memory_space<vmem>>, vector<1x16xf32>,
        %get3A_466 = vector.shape_cast %get3A_465 : vector<1x16xf32> to vector<16xf32>
        %get3A_467 = arith.index_cast %add3A_462 : i32 to index
        %get3A_468 = arith.constant 0 : index
        %get3A_469 = tpu.vector_load %arg10[%get3A_467, %get3A_468] {strides = array<i32>} : memref<200x64xf32, #tpu.memory_space<vmem>>, vector<1x16xf32>,
        %get3A_470 = vector.shape_cast %get3A_469 : vector<1x16xf32> to vector<16xf32>
        %add3A_471 = arith.addf %get3A_466, %get3A_470 : vector<16xf32>
        %swap3A_472 = arith.index_cast %add3A_462 : i32 to index
        %swap3A_473 = arith.constant 0 : index
        %swap3A_474 = tpu.vector_load %arg8[%swap3A_472, %swap3A_473] {strides = array<i32>} : memref<200x64xf32, #tpu.memory_space<vmem>>, vector<1x16xf32>,
        %swap3A_475 = vector.shape_cast %swap3A_474 : vector<1x16xf32> to vector<16xf32>
        %swap3A_476 = vector.shape_cast %add3A_471 : vector<16xf32> to vector<1x16xf32>
        tpu.vector_store %arg8[%swap3A_472, %swap3A_473], %swap3A_476 {strides = array<i32>} : memref<200x64xf32, #tpu.memory_space<vmem>>, vector<1x16xf32>,
        %get3A_477 = arith.index_cast %add3A_462 : i32 to index
        %get3A_478 = arith.constant 16 : index
        %get3A_479 = tpu.vector_load %arg8[%get3A_477, %get3A_478] {strides = array<i32>} : memref<200x64xf32, #tpu.memory_space<vmem>>, vector<1x16xf32>,
        %get3A_480 = vector.shape_cast %get3A_479 : vector<1x16xf32> to vector<16xf32>
        %get3A_481 = arith.index_cast %add3A_462 : i32 to index
        %get3A_482 = arith.constant 16 : index
        %get3A_483 = tpu.vector_load %arg10[%get3A_481, %get3A_482] {strides = array<i32>} : memref<200x64xf32, #tpu.memory_space<vmem>>, vector<1x16xf32>,
        %get3A_484 = vector.shape_cast %get3A_483 : vector<1x16xf32> to vector<16xf32>
        %add3A_485 = arith.addf %get3A_480, %get3A_484 : vector<16xf32>
        %swap3A_486 = arith.index_cast %add3A_462 : i32 to index
        %swap3A_487 = arith.constant 16 : index
        %swap3A_488 = tpu.vector_load %arg8[%swap3A_486, %swap3A_487] {strides = array<i32>} : memref<200x64xf32, #tpu.memory_space<vmem>>, vector<1x16xf32>,
        %swap3A_489 = vector.shape_cast %swap3A_488 : vector<1x16xf32> to vector<16xf32>
        %swap3A_490 = vector.shape_cast %add3A_485 : vector<16xf32> to vector<1x16xf32>
        tpu.vector_store %arg8[%swap3A_486, %swap3A_487], %swap3A_490 {strides = array<i32>} : memref<200x64xf32, #tpu.memory_space<vmem>>, vector<1x16xf32>,
        %get3A_491 = arith.index_cast %add3A_462 : i32 to index
        %get3A_492 = arith.constant 32 : index
        %get3A_493 = tpu.vector_load %arg8[%get3A_491, %get3A_492] {strides = array<i32>} : memref<200x64xf32, #tpu.memory_space<vmem>>, vector<1x16xf32>,
        %get3A_494 = vector.shape_cast %get3A_493 : vector<1x16xf32> to vector<16xf32>
        %get3A_495 = arith.index_cast %add3A_462 : i32 to index
        %get3A_496 = arith.constant 32 : index
        %get3A_497 = tpu.vector_load %arg10[%get3A_495, %get3A_496] {strides = array<i32>} : memref<200x64xf32, #tpu.memory_space<vmem>>, vector<1x16xf32>,
        %get3A_498 = vector.shape_cast %get3A_497 : vector<1x16xf32> to vector<16xf32>
        %add3A_499 = arith.addf %get3A_494, %get3A_498 : vector<16xf32>
        %swap3A_500 = arith.index_cast %add3A_462 : i32 to index
        %swap3A_501 = arith.constant 32 : index
        %swap3A_502 = tpu.vector_load %arg8[%swap3A_500, %swap3A_501] {strides = array<i32>} : memref<200x64xf32, #tpu.memory_space<vmem>>, vector<1x16xf32>,
        %swap3A_503 = vector.shape_cast %swap3A_502 : vector<1x16xf32> to vector<16xf32>
        %swap3A_504 = vector.shape_cast %add3A_499 : vector<16xf32> to vector<1x16xf32>
        tpu.vector_store %arg8[%swap3A_500, %swap3A_501], %swap3A_504 {strides = array<i32>} : memref<200x64xf32, #tpu.memory_space<vmem>>, vector<1x16xf32>,
        %get3A_505 = arith.index_cast %add3A_462 : i32 to index
        %get3A_506 = arith.constant 48 : index
        %get3A_507 = tpu.vector_load %arg8[%get3A_505, %get3A_506] {strides = array<i32>} : memref<200x64xf32, #tpu.memory_space<vmem>>, vector<1x16xf32>,
        %get3A_508 = vector.shape_cast %get3A_507 : vector<1x16xf32> to vector<16xf32>
        %get3A_509 = arith.index_cast %add3A_462 : i32 to index
        %get3A_510 = arith.constant 48 : index
        %get3A_511 = tpu.vector_load %arg10[%get3A_509, %get3A_510] {strides = array<i32>} : memref<200x64xf32, #tpu.memory_space<vmem>>, vector<1x16xf32>,
        %get3A_512 = vector.shape_cast %get3A_511 : vector<1x16xf32> to vector<16xf32>
        %add3A_513 = arith.addf %get3A_508, %get3A_512 : vector<16xf32>
        %swap3A_514 = arith.index_cast %add3A_462 : i32 to index
        %swap3A_515 = arith.constant 48 : index
        %swap3A_516 = tpu.vector_load %arg8[%swap3A_514, %swap3A_515] {strides = array<i32>} : memref<200x64xf32, #tpu.memory_space<vmem>>, vector<1x16xf32>,
        %swap3A_517 = vector.shape_cast %swap3A_516 : vector<1x16xf32> to vector<16xf32>
        %swap3A_518 = vector.shape_cast %add3A_513 : vector<16xf32> to vector<1x16xf32>
        tpu.vector_store %arg8[%swap3A_514, %swap3A_515], %swap3A_518 {strides = array<i32>} : memref<200x64xf32, #tpu.memory_space<vmem>>, vector<1x16xf32>,
      }
      %scan3A_148 = arith.constant 50 : i32
      %dma_start3A_149 = arith.constant 0 : i32
      %dma_start3A_150 = tpu.memref_slice %arg5[%mul3A_126, %dma_start3A_149] : memref<819200x128xf32, #tpu.memory_space<hbm>> -> memref<200x64xf32, #tpu.memory_space<hbm>>
      %dma_start3A_151 = arith.constant 0 : i32
      %dma_start3A_152 = tpu.memref_slice %arg5[%mul3A_126, %dma_start3A_151] : memref<819200x128xf32, #tpu.memory_space<hbm>> -> memref<200x64xf32, #tpu.memory_space<hbm>>
      tpu.enqueue_dma source(%arg8 : memref<200x64xf32, #tpu.memory_space<vmem>>) target(%dma_start3A_152 : memref<200x64xf32, #tpu.memory_space<hbm>>) target_semaphore(%arg15 : memref<!tpu.dma_semaphore, #tpu.memory_space<semaphore_mem>>)
      %add3A_153 = arith.constant 2 : i32
      %add3A_154 = arith.addi %mul3A_123, %add3A_153 : i32
      %min3A_155 = arith.constant 127 : i32
      %min3A_156 = arith.minsi %add3A_154, %min3A_155 : i32
      %add3A_157 = arith.addi %mul3A_2, %min3A_156 : i32
      %mul3A_158 = arith.constant 200 : i32
      %mul3A_159 = arith.muli %add3A_157, %mul3A_158 : i32
      %dma_start3A_160 = arith.constant 0 : i32
      %dma_start3A_161 = tpu.memref_slice %arg6[%dma_start3A_160] : memref<208xi32, #tpu.memory_space<vmem>> -> memref<200xi32, #tpu.memory_space<vmem>>
      %dma_start3A_162 = tpu.memref_slice %arg2[%mul3A_159] : memref<819200xi32, #tpu.memory_space<hbm>> -> memref<200xi32, #tpu.memory_space<hbm>>
      %dma_start3A_163 = arith.constant 0 : i32
      %dma_start3A_164 = tpu.memref_slice %arg6[%dma_start3A_163] : memref<208xi32, #tpu.memory_space<vmem>> -> memref<200xi32, #tpu.memory_space<vmem>>
      %dma_start3A_165 = tpu.memref_slice %arg2[%mul3A_159] : memref<819200xi32, #tpu.memory_space<hbm>> -> memref<200xi32, #tpu.memory_space<hbm>>
      tpu.enqueue_dma source(%dma_start3A_165 : memref<200xi32, #tpu.memory_space<hbm>>) target(%dma_start3A_164 : memref<200xi32, #tpu.memory_space<vmem>>) target_semaphore(%arg11 : memref<!tpu.dma_semaphore, #tpu.memory_space<semaphore_mem>>)
      %add3A_166 = arith.constant 2 : i32
      %add3A_167 = arith.addi %mul3A_123, %add3A_166 : i32
      %min3A_168 = arith.constant 127 : i32
      %min3A_169 = arith.minsi %add3A_167, %min3A_168 : i32
      %add3A_170 = arith.addi %mul3A_2, %min3A_169 : i32
      %mul3A_171 = arith.constant 200 : i32
      %mul3A_172 = arith.muli %add3A_170, %mul3A_171 : i32
      %dma_wait3A_173 = arith.constant 0 : i32
      %dma_wait3A_174 = tpu.memref_slice %arg5[%mul3A_172, %dma_wait3A_173] : memref<819200x128xf32, #tpu.memory_space<hbm>> -> memref<200x64xf32, #tpu.memory_space<hbm>>
      %dma_wait3A_175 = arith.constant 0 : i32
      %dma_wait3A_176 = tpu.memref_slice %arg5[%mul3A_172, %dma_wait3A_175] : memref<819200x128xf32, #tpu.memory_space<hbm>> -> memref<200x64xf32, #tpu.memory_space<hbm>>
      tpu.wait_dma2 semaphore(%arg15 : memref<!tpu.dma_semaphore, #tpu.memory_space<semaphore_mem>>) src(%arg8 : memref<200x64xf32, #tpu.memory_space<vmem>>) dst(%dma_wait3A_176 : memref<200x64xf32, #tpu.memory_space<hbm>>)
      %dma_wait3A_177 = arith.constant 0 : i32
      %dma_wait3A_178 = tpu.memref_slice %arg6[%dma_wait3A_177] : memref<208xi32, #tpu.memory_space<vmem>> -> memref<200xi32, #tpu.memory_space<vmem>>
      %dma_wait3A_179 = arith.constant 0 : i32
      %dma_wait3A_180 = tpu.memref_slice %arg2[%dma_wait3A_179] : memref<819200xi32, #tpu.memory_space<hbm>> -> memref<200xi32, #tpu.memory_space<hbm>>
      %dma_wait3A_181 = arith.constant 0 : i32
      %dma_wait3A_182 = tpu.memref_slice %arg6[%dma_wait3A_181] : memref<208xi32, #tpu.memory_space<vmem>> -> memref<200xi32, #tpu.memory_space<vmem>>
      %dma_wait3A_183 = arith.constant 0 : i32
      %dma_wait3A_184 = tpu.memref_slice %arg2[%dma_wait3A_183] : memref<819200xi32, #tpu.memory_space<hbm>> -> memref<200xi32, #tpu.memory_space<hbm>>
      tpu.wait_dma2 semaphore(%arg11 : memref<!tpu.dma_semaphore, #tpu.memory_space<semaphore_mem>>) src(%dma_wait3A_184 : memref<200xi32, #tpu.memory_space<hbm>>) dst(%dma_wait3A_182 : memref<200xi32, #tpu.memory_space<vmem>>)
      %dma_start3A_185 = arith.constant 0 : i32
      %dma_start3A_186 = arith.constant 0 : i32
      %dma_start3A_187 = tpu.memref_slice %arg8[%dma_start3A_185, %dma_start3A_186] : memref<200x64xf32, #tpu.memory_space<vmem>> -> memref<104x64xf32, #tpu.memory_space<vmem>>
      %dma_start3A_188 = arith.constant 0 : i32
      %dma_start3A_189 = tpu.memref_slice %arg6[%dma_start3A_188] : memref<208xi32, #tpu.memory_space<vmem>> -> memref<104xi32, #tpu.memory_space<vmem>>
      %dma_start3A_190 = arith.constant 0 : i32
      %dma_start3A_191 = arith.constant 0 : i32
      %dma_start3A_192 = tpu.memref_slice %arg3[%dma_start3A_190, %dma_start3A_191] : memref<1000000x64xf32, #tpu.memory_space<hbm>> -> memref<1000000x64xf32, #tpu.memory_space<hbm>>
      tpu.enqueue_indirect_dma source(%dma_start3A_192 : memref<1000000x64xf32, #tpu.memory_space<hbm>>) target(%dma_start3A_187 : memref<104x64xf32, #tpu.memory_space<vmem>>) offsets(%dma_start3A_189 : memref<104xi32, #tpu.memory_space<vmem>>) semaphore(%arg13 : memref<!tpu.dma_semaphore, #tpu.memory_space<semaphore_mem>>)
      %dma_start3A_193 = arith.constant 104 : i32
      %dma_start3A_194 = arith.constant 0 : i32
      %dma_start3A_195 = tpu.memref_slice %arg8[%dma_start3A_193, %dma_start3A_194] : memref<200x64xf32, #tpu.memory_space<vmem>> -> memref<96x64xf32, #tpu.memory_space<vmem>>
      %dma_start3A_196 = arith.constant 104 : i32
      %dma_start3A_197 = tpu.memref_slice %arg6[%dma_start3A_196] : memref<208xi32, #tpu.memory_space<vmem>> -> memref<96xi32, #tpu.memory_space<vmem>>
      %dma_start3A_198 = arith.constant 0 : i32
      %dma_start3A_199 = arith.constant 0 : i32
      %dma_start3A_200 = tpu.memref_slice %arg3[%dma_start3A_198, %dma_start3A_199] : memref<1000000x64xf32, #tpu.memory_space<hbm>> -> memref<1000000x64xf32, #tpu.memory_space<hbm>>
      tpu.enqueue_indirect_dma source(%dma_start3A_200 : memref<1000000x64xf32, #tpu.memory_space<hbm>>) target(%dma_start3A_195 : memref<96x64xf32, #tpu.memory_space<vmem>>) offsets(%dma_start3A_197 : memref<96xi32, #tpu.memory_space<vmem>>) semaphore(%arg13 : memref<!tpu.dma_semaphore, #tpu.memory_space<semaphore_mem>>)
      %add3A_201 = arith.constant 1 : i32
      %add3A_202 = arith.addi %mul3A_123, %add3A_201 : i32
      %add3A_203 = arith.addi %mul3A_2, %add3A_202 : i32
      %mul3A_204 = arith.constant 200 : i32
      %mul3A_205 = arith.muli %add3A_203, %mul3A_204 : i32
      %dma_wait3A_206 = arith.constant 0 : i32
      %dma_wait3A_207 = arith.constant 0 : i32
      %dma_wait3A_208 = tpu.memref_slice %arg9[%dma_wait3A_206, %dma_wait3A_207] : memref<200x64xf32, #tpu.memory_space<vmem>> -> memref<104x64xf32, #tpu.memory_space<vmem>>
      %dma_wait3A_209 = arith.constant 0 : i32
      %dma_wait3A_210 = tpu.memref_slice %arg7[%dma_wait3A_209] : memref<208xi32, #tpu.memory_space<vmem>> -> memref<104xi32, #tpu.memory_space<vmem>>
      %dma_wait3A_211 = arith.constant 0 : i32
      %dma_wait3A_212 = arith.constant 0 : i32
      %dma_wait3A_213 = tpu.memref_slice %arg3[%dma_wait3A_211, %dma_wait3A_212] : memref<1000000x64xf32, #tpu.memory_space<hbm>> -> memref<1000000x64xf32, #tpu.memory_space<hbm>>
      tpu.wait_indirect_dma semaphore(%arg14 : memref<!tpu.dma_semaphore, #tpu.memory_space<semaphore_mem>>) src(%dma_wait3A_213 : memref<1000000x64xf32, #tpu.memory_space<hbm>>) dst(%dma_wait3A_208 : memref<104x64xf32, #tpu.memory_space<vmem>>)
      %dma_wait3A_214 = arith.constant 104 : i32
      %dma_wait3A_215 = arith.constant 0 : i32
      %dma_wait3A_216 = tpu.memref_slice %arg9[%dma_wait3A_214, %dma_wait3A_215] : memref<200x64xf32, #tpu.memory_space<vmem>> -> memref<96x64xf32, #tpu.memory_space<vmem>>
      %dma_wait3A_217 = arith.constant 104 : i32
      %dma_wait3A_218 = tpu.memref_slice %arg7[%dma_wait3A_217] : memref<208xi32, #tpu.memory_space<vmem>> -> memref<96xi32, #tpu.memory_space<vmem>>
      %dma_wait3A_219 = arith.constant 0 : i32
      %dma_wait3A_220 = arith.constant 0 : i32
      %dma_wait3A_221 = tpu.memref_slice %arg3[%dma_wait3A_219, %dma_wait3A_220] : memref<1000000x64xf32, #tpu.memory_space<hbm>> -> memref<1000000x64xf32, #tpu.memory_space<hbm>>
      tpu.wait_indirect_dma semaphore(%arg14 : memref<!tpu.dma_semaphore, #tpu.memory_space<semaphore_mem>>) src(%dma_wait3A_221 : memref<1000000x64xf32, #tpu.memory_space<hbm>>) dst(%dma_wait3A_216 : memref<96x64xf32, #tpu.memory_space<vmem>>)
      %scan3A_222 = arith.constant 0 : i32
      %scan3A_223 = arith.constant 0 : i32
      %scan3A_224 = arith.constant 50 : i32
      %scan3A_225 = arith.addi %scan3A_223, %scan3A_224 : i32
      %scan3A_226 = arith.constant 1 : i32
      scf.for %scan3A_280 = %scan3A_223 to %scan3A_225 step %scan3A_226  : i32 {
        %mul3A_281 = arith.constant 4 : i32
        %mul3A_282 = arith.muli %scan3A_280, %mul3A_281 : i32
        %add3A_283 = arith.constant 0 : i32
        %add3A_284 = arith.addi %mul3A_282, %add3A_283 : i32
        %get3A = arith.index_cast %add3A_284 : i32 to index
        %get3A_285 = arith.constant 0 : index
        %get3A_286 = tpu.vector_load %arg9[%get3A, %get3A_285] {strides = array<i32>} : memref<200x64xf32, #tpu.memory_space<vmem>>, vector<1x16xf32>,
        %get3A_287 = vector.shape_cast %get3A_286 : vector<1x16xf32> to vector<16xf32>
        %get3A_288 = arith.index_cast %add3A_284 : i32 to index
        %get3A_289 = arith.constant 0 : index
        %get3A_290 = tpu.vector_load %arg10[%get3A_288, %get3A_289] {strides = array<i32>} : memref<200x64xf32, #tpu.memory_space<vmem>>, vector<1x16xf32>,
        %get3A_291 = vector.shape_cast %get3A_290 : vector<1x16xf32> to vector<16xf32>
        %add3A_292 = arith.addf %get3A_287, %get3A_291 : vector<16xf32>
        %swap3A = arith.index_cast %add3A_284 : i32 to index
        %swap3A_293 = arith.constant 0 : index
        %swap3A_294 = tpu.vector_load %arg9[%swap3A, %swap3A_293] {strides = array<i32>} : memref<200x64xf32, #tpu.memory_space<vmem>>, vector<1x16xf32>,
        %swap3A_295 = vector.shape_cast %swap3A_294 : vector<1x16xf32> to vector<16xf32>
        %swap3A_296 = vector.shape_cast %add3A_292 : vector<16xf32> to vector<1x16xf32>
        tpu.vector_store %arg9[%swap3A, %swap3A_293], %swap3A_296 {strides = array<i32>} : memref<200x64xf32, #tpu.memory_space<vmem>>, vector<1x16xf32>,
        %get3A_297 = arith.index_cast %add3A_284 : i32 to index
        %get3A_298 = arith.constant 16 : index
        %get3A_299 = tpu.vector_load %arg9[%get3A_297, %get3A_298] {strides = array<i32>} : memref<200x64xf32, #tpu.memory_space<vmem>>, vector<1x16xf32>,
        %get3A_300 = vector.shape_cast %get3A_299 : vector<1x16xf32> to vector<16xf32>
        %get3A_301 = arith.index_cast %add3A_284 : i32 to index
        %get3A_302 = arith.constant 16 : index
        %get3A_303 = tpu.vector_load %arg10[%get3A_301, %get3A_302] {strides = array<i32>} : memref<200x64xf32, #tpu.memory_space<vmem>>, vector<1x16xf32>,
        %get3A_304 = vector.shape_cast %get3A_303 : vector<1x16xf32> to vector<16xf32>
        %add3A_305 = arith.addf %get3A_300, %get3A_304 : vector<16xf32>
        %swap3A_306 = arith.index_cast %add3A_284 : i32 to index
        %swap3A_307 = arith.constant 16 : index
        %swap3A_308 = tpu.vector_load %arg9[%swap3A_306, %swap3A_307] {strides = array<i32>} : memref<200x64xf32, #tpu.memory_space<vmem>>, vector<1x16xf32>,
        %swap3A_309 = vector.shape_cast %swap3A_308 : vector<1x16xf32> to vector<16xf32>
        %swap3A_310 = vector.shape_cast %add3A_305 : vector<16xf32> to vector<1x16xf32>
        tpu.vector_store %arg9[%swap3A_306, %swap3A_307], %swap3A_310 {strides = array<i32>} : memref<200x64xf32, #tpu.memory_space<vmem>>, vector<1x16xf32>,
        %get3A_311 = arith.index_cast %add3A_284 : i32 to index
        %get3A_312 = arith.constant 32 : index
        %get3A_313 = tpu.vector_load %arg9[%get3A_311, %get3A_312] {strides = array<i32>} : memref<200x64xf32, #tpu.memory_space<vmem>>, vector<1x16xf32>,
        %get3A_314 = vector.shape_cast %get3A_313 : vector<1x16xf32> to vector<16xf32>
        %get3A_315 = arith.index_cast %add3A_284 : i32 to index
        %get3A_316 = arith.constant 32 : index
        %get3A_317 = tpu.vector_load %arg10[%get3A_315, %get3A_316] {strides = array<i32>} : memref<200x64xf32, #tpu.memory_space<vmem>>, vector<1x16xf32>,
        %get3A_318 = vector.shape_cast %get3A_317 : vector<1x16xf32> to vector<16xf32>
        %add3A_319 = arith.addf %get3A_314, %get3A_318 : vector<16xf32>
        %swap3A_320 = arith.index_cast %add3A_284 : i32 to index
        %swap3A_321 = arith.constant 32 : index
        %swap3A_322 = tpu.vector_load %arg9[%swap3A_320, %swap3A_321] {strides = array<i32>} : memref<200x64xf32, #tpu.memory_space<vmem>>, vector<1x16xf32>,
        %swap3A_323 = vector.shape_cast %swap3A_322 : vector<1x16xf32> to vector<16xf32>
        %swap3A_324 = vector.shape_cast %add3A_319 : vector<16xf32> to vector<1x16xf32>
        tpu.vector_store %arg9[%swap3A_320, %swap3A_321], %swap3A_324 {strides = array<i32>} : memref<200x64xf32, #tpu.memory_space<vmem>>, vector<1x16xf32>,
        %get3A_325 = arith.index_cast %add3A_284 : i32 to index
        %get3A_326 = arith.constant 48 : index
        %get3A_327 = tpu.vector_load %arg9[%get3A_325, %get3A_326] {strides = array<i32>} : memref<200x64xf32, #tpu.memory_space<vmem>>, vector<1x16xf32>,
        %get3A_328 = vector.shape_cast %get3A_327 : vector<1x16xf32> to vector<16xf32>
        %get3A_329 = arith.index_cast %add3A_284 : i32 to index
        %get3A_330 = arith.constant 48 : index
        %get3A_331 = tpu.vector_load %arg10[%get3A_329, %get3A_330] {strides = array<i32>} : memref<200x64xf32, #tpu.memory_space<vmem>>, vector<1x16xf32>,
        %get3A_332 = vector.shape_cast %get3A_331 : vector<1x16xf32> to vector<16xf32>
        %add3A_333 = arith.addf %get3A_328, %get3A_332 : vector<16xf32>
        %swap3A_334 = arith.index_cast %add3A_284 : i32 to index
        %swap3A_335 = arith.constant 48 : index
        %swap3A_336 = tpu.vector_load %arg9[%swap3A_334, %swap3A_335] {strides = array<i32>} : memref<200x64xf32, #tpu.memory_space<vmem>>, vector<1x16xf32>,
        %swap3A_337 = vector.shape_cast %swap3A_336 : vector<1x16xf32> to vector<16xf32>
        %swap3A_338 = vector.shape_cast %add3A_333 : vector<16xf32> to vector<1x16xf32>
        tpu.vector_store %arg9[%swap3A_334, %swap3A_335], %swap3A_338 {strides = array<i32>} : memref<200x64xf32, #tpu.memory_space<vmem>>, vector<1x16xf32>,
        %mul3A_339 = arith.constant 4 : i32
        %mul3A_340 = arith.muli %scan3A_280, %mul3A_339 : i32
        %add3A_341 = arith.constant 1 : i32
        %add3A_342 = arith.addi %mul3A_340, %add3A_341 : i32
        %get3A_343 = arith.index_cast %add3A_342 : i32 to index
        %get3A_344 = arith.constant 0 : index
        %get3A_345 = tpu.vector_load %arg9[%get3A_343, %get3A_344] {strides = array<i32>} : memref<200x64xf32, #tpu.memory_space<vmem>>, vector<1x16xf32>,
        %get3A_346 = vector.shape_cast %get3A_345 : vector<1x16xf32> to vector<16xf32>
        %get3A_347 = arith.index_cast %add3A_342 : i32 to index
        %get3A_348 = arith.constant 0 : index
        %get3A_349 = tpu.vector_load %arg10[%get3A_347, %get3A_348] {strides = array<i32>} : memref<200x64xf32, #tpu.memory_space<vmem>>, vector<1x16xf32>,
        %get3A_350 = vector.shape_cast %get3A_349 : vector<1x16xf32> to vector<16xf32>
        %add3A_351 = arith.addf %get3A_346, %get3A_350 : vector<16xf32>
        %swap3A_352 = arith.index_cast %add3A_342 : i32 to index
        %swap3A_353 = arith.constant 0 : index
        %swap3A_354 = tpu.vector_load %arg9[%swap3A_352, %swap3A_353] {strides = array<i32>} : memref<200x64xf32, #tpu.memory_space<vmem>>, vector<1x16xf32>,
        %swap3A_355 = vector.shape_cast %swap3A_354 : vector<1x16xf32> to vector<16xf32>
        %swap3A_356 = vector.shape_cast %add3A_351 : vector<16xf32> to vector<1x16xf32>
        tpu.vector_store %arg9[%swap3A_352, %swap3A_353], %swap3A_356 {strides = array<i32>} : memref<200x64xf32, #tpu.memory_space<vmem>>, vector<1x16xf32>,
        %get3A_357 = arith.index_cast %add3A_342 : i32 to index
        %get3A_358 = arith.constant 16 : index
        %get3A_359 = tpu.vector_load %arg9[%get3A_357, %get3A_358] {strides = array<i32>} : memref<200x64xf32, #tpu.memory_space<vmem>>, vector<1x16xf32>,
        %get3A_360 = vector.shape_cast %get3A_359 : vector<1x16xf32> to vector<16xf32>
        %get3A_361 = arith.index_cast %add3A_342 : i32 to index
        %get3A_362 = arith.constant 16 : index
        %get3A_363 = tpu.vector_load %arg10[%get3A_361, %get3A_362] {strides = array<i32>} : memref<200x64xf32, #tpu.memory_space<vmem>>, vector<1x16xf32>,
        %get3A_364 = vector.shape_cast %get3A_363 : vector<1x16xf32> to vector<16xf32>
        %add3A_365 = arith.addf %get3A_360, %get3A_364 : vector<16xf32>
        %swap3A_366 = arith.index_cast %add3A_342 : i32 to index
        %swap3A_367 = arith.constant 16 : index
        %swap3A_368 = tpu.vector_load %arg9[%swap3A_366, %swap3A_367] {strides = array<i32>} : memref<200x64xf32, #tpu.memory_space<vmem>>, vector<1x16xf32>,
        %swap3A_369 = vector.shape_cast %swap3A_368 : vector<1x16xf32> to vector<16xf32>
        %swap3A_370 = vector.shape_cast %add3A_365 : vector<16xf32> to vector<1x16xf32>
        tpu.vector_store %arg9[%swap3A_366, %swap3A_367], %swap3A_370 {strides = array<i32>} : memref<200x64xf32, #tpu.memory_space<vmem>>, vector<1x16xf32>,
        %get3A_371 = arith.index_cast %add3A_342 : i32 to index
        %get3A_372 = arith.constant 32 : index
        %get3A_373 = tpu.vector_load %arg9[%get3A_371, %get3A_372] {strides = array<i32>} : memref<200x64xf32, #tpu.memory_space<vmem>>, vector<1x16xf32>,
        %get3A_374 = vector.shape_cast %get3A_373 : vector<1x16xf32> to vector<16xf32>
        %get3A_375 = arith.index_cast %add3A_342 : i32 to index
        %get3A_376 = arith.constant 32 : index
        %get3A_377 = tpu.vector_load %arg10[%get3A_375, %get3A_376] {strides = array<i32>} : memref<200x64xf32, #tpu.memory_space<vmem>>, vector<1x16xf32>,
        %get3A_378 = vector.shape_cast %get3A_377 : vector<1x16xf32> to vector<16xf32>
        %add3A_379 = arith.addf %get3A_374, %get3A_378 : vector<16xf32>
        %swap3A_380 = arith.index_cast %add3A_342 : i32 to index
        %swap3A_381 = arith.constant 32 : index
        %swap3A_382 = tpu.vector_load %arg9[%swap3A_380, %swap3A_381] {strides = array<i32>} : memref<200x64xf32, #tpu.memory_space<vmem>>, vector<1x16xf32>,
        %swap3A_383 = vector.shape_cast %swap3A_382 : vector<1x16xf32> to vector<16xf32>
        %swap3A_384 = vector.shape_cast %add3A_379 : vector<16xf32> to vector<1x16xf32>
        tpu.vector_store %arg9[%swap3A_380, %swap3A_381], %swap3A_384 {strides = array<i32>} : memref<200x64xf32, #tpu.memory_space<vmem>>, vector<1x16xf32>,
        %get3A_385 = arith.index_cast %add3A_342 : i32 to index
        %get3A_386 = arith.constant 48 : index
        %get3A_387 = tpu.vector_load %arg9[%get3A_385, %get3A_386] {strides = array<i32>} : memref<200x64xf32, #tpu.memory_space<vmem>>, vector<1x16xf32>,
        %get3A_388 = vector.shape_cast %get3A_387 : vector<1x16xf32> to vector<16xf32>
        %get3A_389 = arith.index_cast %add3A_342 : i32 to index
        %get3A_390 = arith.constant 48 : index
        %get3A_391 = tpu.vector_load %arg10[%get3A_389, %get3A_390] {strides = array<i32>} : memref<200x64xf32, #tpu.memory_space<vmem>>, vector<1x16xf32>,
        %get3A_392 = vector.shape_cast %get3A_391 : vector<1x16xf32> to vector<16xf32>
        %add3A_393 = arith.addf %get3A_388, %get3A_392 : vector<16xf32>
        %swap3A_394 = arith.index_cast %add3A_342 : i32 to index
        %swap3A_395 = arith.constant 48 : index
        %swap3A_396 = tpu.vector_load %arg9[%swap3A_394, %swap3A_395] {strides = array<i32>} : memref<200x64xf32, #tpu.memory_space<vmem>>, vector<1x16xf32>,
        %swap3A_397 = vector.shape_cast %swap3A_396 : vector<1x16xf32> to vector<16xf32>
        %swap3A_398 = vector.shape_cast %add3A_393 : vector<16xf32> to vector<1x16xf32>
        tpu.vector_store %arg9[%swap3A_394, %swap3A_395], %swap3A_398 {strides = array<i32>} : memref<200x64xf32, #tpu.memory_space<vmem>>, vector<1x16xf32>,
        %mul3A_399 = arith.constant 4 : i32
        %mul3A_400 = arith.muli %scan3A_280, %mul3A_399 : i32
        %add3A_401 = arith.constant 2 : i32
        %add3A_402 = arith.addi %mul3A_400, %add3A_401 : i32
        %get3A_403 = arith.index_cast %add3A_402 : i32 to index
        %get3A_404 = arith.constant 0 : index
        %get3A_405 = tpu.vector_load %arg9[%get3A_403, %get3A_404] {strides = array<i32>} : memref<200x64xf32, #tpu.memory_space<vmem>>, vector<1x16xf32>,
        %get3A_406 = vector.shape_cast %get3A_405 : vector<1x16xf32> to vector<16xf32>
        %get3A_407 = arith.index_cast %add3A_402 : i32 to index
        %get3A_408 = arith.constant 0 : index
        %get3A_409 = tpu.vector_load %arg10[%get3A_407, %get3A_408] {strides = array<i32>} : memref<200x64xf32, #tpu.memory_space<vmem>>, vector<1x16xf32>,
        %get3A_410 = vector.shape_cast %get3A_409 : vector<1x16xf32> to vector<16xf32>
        %add3A_411 = arith.addf %get3A_406, %get3A_410 : vector<16xf32>
        %swap3A_412 = arith.index_cast %add3A_402 : i32 to index
        %swap3A_413 = arith.constant 0 : index
        %swap3A_414 = tpu.vector_load %arg9[%swap3A_412, %swap3A_413] {strides = array<i32>} : memref<200x64xf32, #tpu.memory_space<vmem>>, vector<1x16xf32>,
        %swap3A_415 = vector.shape_cast %swap3A_414 : vector<1x16xf32> to vector<16xf32>
        %swap3A_416 = vector.shape_cast %add3A_411 : vector<16xf32> to vector<1x16xf32>
        tpu.vector_store %arg9[%swap3A_412, %swap3A_413], %swap3A_416 {strides = array<i32>} : memref<200x64xf32, #tpu.memory_space<vmem>>, vector<1x16xf32>,
        %get3A_417 = arith.index_cast %add3A_402 : i32 to index
        %get3A_418 = arith.constant 16 : index
        %get3A_419 = tpu.vector_load %arg9[%get3A_417, %get3A_418] {strides = array<i32>} : memref<200x64xf32, #tpu.memory_space<vmem>>, vector<1x16xf32>,
        %get3A_420 = vector.shape_cast %get3A_419 : vector<1x16xf32> to vector<16xf32>
        %get3A_421 = arith.index_cast %add3A_402 : i32 to index
        %get3A_422 = arith.constant 16 : index
        %get3A_423 = tpu.vector_load %arg10[%get3A_421, %get3A_422] {strides = array<i32>} : memref<200x64xf32, #tpu.memory_space<vmem>>, vector<1x16xf32>,
        %get3A_424 = vector.shape_cast %get3A_423 : vector<1x16xf32> to vector<16xf32>
        %add3A_425 = arith.addf %get3A_420, %get3A_424 : vector<16xf32>
        %swap3A_426 = arith.index_cast %add3A_402 : i32 to index
        %swap3A_427 = arith.constant 16 : index
        %swap3A_428 = tpu.vector_load %arg9[%swap3A_426, %swap3A_427] {strides = array<i32>} : memref<200x64xf32, #tpu.memory_space<vmem>>, vector<1x16xf32>,
        %swap3A_429 = vector.shape_cast %swap3A_428 : vector<1x16xf32> to vector<16xf32>
        %swap3A_430 = vector.shape_cast %add3A_425 : vector<16xf32> to vector<1x16xf32>
        tpu.vector_store %arg9[%swap3A_426, %swap3A_427], %swap3A_430 {strides = array<i32>} : memref<200x64xf32, #tpu.memory_space<vmem>>, vector<1x16xf32>,
        %get3A_431 = arith.index_cast %add3A_402 : i32 to index
        %get3A_432 = arith.constant 32 : index
        %get3A_433 = tpu.vector_load %arg9[%get3A_431, %get3A_432] {strides = array<i32>} : memref<200x64xf32, #tpu.memory_space<vmem>>, vector<1x16xf32>,
        %get3A_434 = vector.shape_cast %get3A_433 : vector<1x16xf32> to vector<16xf32>
        %get3A_435 = arith.index_cast %add3A_402 : i32 to index
        %get3A_436 = arith.constant 32 : index
        %get3A_437 = tpu.vector_load %arg10[%get3A_435, %get3A_436] {strides = array<i32>} : memref<200x64xf32, #tpu.memory_space<vmem>>, vector<1x16xf32>,
        %get3A_438 = vector.shape_cast %get3A_437 : vector<1x16xf32> to vector<16xf32>
        %add3A_439 = arith.addf %get3A_434, %get3A_438 : vector<16xf32>
        %swap3A_440 = arith.index_cast %add3A_402 : i32 to index
        %swap3A_441 = arith.constant 32 : index
        %swap3A_442 = tpu.vector_load %arg9[%swap3A_440, %swap3A_441] {strides = array<i32>} : memref<200x64xf32, #tpu.memory_space<vmem>>, vector<1x16xf32>,
        %swap3A_443 = vector.shape_cast %swap3A_442 : vector<1x16xf32> to vector<16xf32>
        %swap3A_444 = vector.shape_cast %add3A_439 : vector<16xf32> to vector<1x16xf32>
        tpu.vector_store %arg9[%swap3A_440, %swap3A_441], %swap3A_444 {strides = array<i32>} : memref<200x64xf32, #tpu.memory_space<vmem>>, vector<1x16xf32>,
        %get3A_445 = arith.index_cast %add3A_402 : i32 to index
        %get3A_446 = arith.constant 48 : index
        %get3A_447 = tpu.vector_load %arg9[%get3A_445, %get3A_446] {strides = array<i32>} : memref<200x64xf32, #tpu.memory_space<vmem>>, vector<1x16xf32>,
        %get3A_448 = vector.shape_cast %get3A_447 : vector<1x16xf32> to vector<16xf32>
        %get3A_449 = arith.index_cast %add3A_402 : i32 to index
        %get3A_450 = arith.constant 48 : index
        %get3A_451 = tpu.vector_load %arg10[%get3A_449, %get3A_450] {strides = array<i32>} : memref<200x64xf32, #tpu.memory_space<vmem>>, vector<1x16xf32>,
        %get3A_452 = vector.shape_cast %get3A_451 : vector<1x16xf32> to vector<16xf32>
        %add3A_453 = arith.addf %get3A_448, %get3A_452 : vector<16xf32>
        %swap3A_454 = arith.index_cast %add3A_402 : i32 to index
        %swap3A_455 = arith.constant 48 : index
        %swap3A_456 = tpu.vector_load %arg9[%swap3A_454, %swap3A_455] {strides = array<i32>} : memref<200x64xf32, #tpu.memory_space<vmem>>, vector<1x16xf32>,
        %swap3A_457 = vector.shape_cast %swap3A_456 : vector<1x16xf32> to vector<16xf32>
        %swap3A_458 = vector.shape_cast %add3A_453 : vector<16xf32> to vector<1x16xf32>
        tpu.vector_store %arg9[%swap3A_454, %swap3A_455], %swap3A_458 {strides = array<i32>} : memref<200x64xf32, #tpu.memory_space<vmem>>, vector<1x16xf32>,
        %mul3A_459 = arith.constant 4 : i32
        %mul3A_460 = arith.muli %scan3A_280, %mul3A_459 : i32
        %add3A_461 = arith.constant 3 : i32
        %add3A_462 = arith.addi %mul3A_460, %add3A_461 : i32
        %get3A_463 = arith.index_cast %add3A_462 : i32 to index
        %get3A_464 = arith.constant 0 : index
        %get3A_465 = tpu.vector_load %arg9[%get3A_463, %get3A_464] {strides = array<i32>} : memref<200x64xf32, #tpu.memory_space<vmem>>, vector<1x16xf32>,
        %get3A_466 = vector.shape_cast %get3A_465 : vector<1x16xf32> to vector<16xf32>
        %get3A_467 = arith.index_cast %add3A_462 : i32 to index
        %get3A_468 = arith.constant 0 : index
        %get3A_469 = tpu.vector_load %arg10[%get3A_467, %get3A_468] {strides = array<i32>} : memref<200x64xf32, #tpu.memory_space<vmem>>, vector<1x16xf32>,
        %get3A_470 = vector.shape_cast %get3A_469 : vector<1x16xf32> to vector<16xf32>
        %add3A_471 = arith.addf %get3A_466, %get3A_470 : vector<16xf32>
        %swap3A_472 = arith.index_cast %add3A_462 : i32 to index
        %swap3A_473 = arith.constant 0 : index
        %swap3A_474 = tpu.vector_load %arg9[%swap3A_472, %swap3A_473] {strides = array<i32>} : memref<200x64xf32, #tpu.memory_space<vmem>>, vector<1x16xf32>,
        %swap3A_475 = vector.shape_cast %swap3A_474 : vector<1x16xf32> to vector<16xf32>
        %swap3A_476 = vector.shape_cast %add3A_471 : vector<16xf32> to vector<1x16xf32>
        tpu.vector_store %arg9[%swap3A_472, %swap3A_473], %swap3A_476 {strides = array<i32>} : memref<200x64xf32, #tpu.memory_space<vmem>>, vector<1x16xf32>,
        %get3A_477 = arith.index_cast %add3A_462 : i32 to index
        %get3A_478 = arith.constant 16 : index
        %get3A_479 = tpu.vector_load %arg9[%get3A_477, %get3A_478] {strides = array<i32>} : memref<200x64xf32, #tpu.memory_space<vmem>>, vector<1x16xf32>,
        %get3A_480 = vector.shape_cast %get3A_479 : vector<1x16xf32> to vector<16xf32>
        %get3A_481 = arith.index_cast %add3A_462 : i32 to index
        %get3A_482 = arith.constant 16 : index
        %get3A_483 = tpu.vector_load %arg10[%get3A_481, %get3A_482] {strides = array<i32>} : memref<200x64xf32, #tpu.memory_space<vmem>>, vector<1x16xf32>,
        %get3A_484 = vector.shape_cast %get3A_483 : vector<1x16xf32> to vector<16xf32>
        %add3A_485 = arith.addf %get3A_480, %get3A_484 : vector<16xf32>
        %swap3A_486 = arith.index_cast %add3A_462 : i32 to index
        %swap3A_487 = arith.constant 16 : index
        %swap3A_488 = tpu.vector_load %arg9[%swap3A_486, %swap3A_487] {strides = array<i32>} : memref<200x64xf32, #tpu.memory_space<vmem>>, vector<1x16xf32>,
        %swap3A_489 = vector.shape_cast %swap3A_488 : vector<1x16xf32> to vector<16xf32>
        %swap3A_490 = vector.shape_cast %add3A_485 : vector<16xf32> to vector<1x16xf32>
        tpu.vector_store %arg9[%swap3A_486, %swap3A_487], %swap3A_490 {strides = array<i32>} : memref<200x64xf32, #tpu.memory_space<vmem>>, vector<1x16xf32>,
        %get3A_491 = arith.index_cast %add3A_462 : i32 to index
        %get3A_492 = arith.constant 32 : index
        %get3A_493 = tpu.vector_load %arg9[%get3A_491, %get3A_492] {strides = array<i32>} : memref<200x64xf32, #tpu.memory_space<vmem>>, vector<1x16xf32>,
        %get3A_494 = vector.shape_cast %get3A_493 : vector<1x16xf32> to vector<16xf32>
        %get3A_495 = arith.index_cast %add3A_462 : i32 to index
        %get3A_496 = arith.constant 32 : index
        %get3A_497 = tpu.vector_load %arg10[%get3A_495, %get3A_496] {strides = array<i32>} : memref<200x64xf32, #tpu.memory_space<vmem>>, vector<1x16xf32>,
        %get3A_498 = vector.shape_cast %get3A_497 : vector<1x16xf32> to vector<16xf32>
        %add3A_499 = arith.addf %get3A_494, %get3A_498 : vector<16xf32>
        %swap3A_500 = arith.index_cast %add3A_462 : i32 to index
        %swap3A_501 = arith.constant 32 : index
        %swap3A_502 = tpu.vector_load %arg9[%swap3A_500, %swap3A_501] {strides = array<i32>} : memref<200x64xf32, #tpu.memory_space<vmem>>, vector<1x16xf32>,
        %swap3A_503 = vector.shape_cast %swap3A_502 : vector<1x16xf32> to vector<16xf32>
        %swap3A_504 = vector.shape_cast %add3A_499 : vector<16xf32> to vector<1x16xf32>
        tpu.vector_store %arg9[%swap3A_500, %swap3A_501], %swap3A_504 {strides = array<i32>} : memref<200x64xf32, #tpu.memory_space<vmem>>, vector<1x16xf32>,
        %get3A_505 = arith.index_cast %add3A_462 : i32 to index
        %get3A_506 = arith.constant 48 : index
        %get3A_507 = tpu.vector_load %arg9[%get3A_505, %get3A_506] {strides = array<i32>} : memref<200x64xf32, #tpu.memory_space<vmem>>, vector<1x16xf32>,
        %get3A_508 = vector.shape_cast %get3A_507 : vector<1x16xf32> to vector<16xf32>
        %get3A_509 = arith.index_cast %add3A_462 : i32 to index
        %get3A_510 = arith.constant 48 : index
        %get3A_511 = tpu.vector_load %arg10[%get3A_509, %get3A_510] {strides = array<i32>} : memref<200x64xf32, #tpu.memory_space<vmem>>, vector<1x16xf32>,
        %get3A_512 = vector.shape_cast %get3A_511 : vector<1x16xf32> to vector<16xf32>
        %add3A_513 = arith.addf %get3A_508, %get3A_512 : vector<16xf32>
        %swap3A_514 = arith.index_cast %add3A_462 : i32 to index
        %swap3A_515 = arith.constant 48 : index
        %swap3A_516 = tpu.vector_load %arg9[%swap3A_514, %swap3A_515] {strides = array<i32>} : memref<200x64xf32, #tpu.memory_space<vmem>>, vector<1x16xf32>,
        %swap3A_517 = vector.shape_cast %swap3A_516 : vector<1x16xf32> to vector<16xf32>
        %swap3A_518 = vector.shape_cast %add3A_513 : vector<16xf32> to vector<1x16xf32>
        tpu.vector_store %arg9[%swap3A_514, %swap3A_515], %swap3A_518 {strides = array<i32>} : memref<200x64xf32, #tpu.memory_space<vmem>>, vector<1x16xf32>,
      }
      %scan3A_227 = arith.constant 50 : i32
      %dma_start3A_228 = arith.constant 0 : i32
      %dma_start3A_229 = tpu.memref_slice %arg5[%mul3A_205, %dma_start3A_228] : memref<819200x128xf32, #tpu.memory_space<hbm>> -> memref<200x64xf32, #tpu.memory_space<hbm>>
      %dma_start3A_230 = arith.constant 0 : i32
      %dma_start3A_231 = tpu.memref_slice %arg5[%mul3A_205, %dma_start3A_230] : memref<819200x128xf32, #tpu.memory_space<hbm>> -> memref<200x64xf32, #tpu.memory_space<hbm>>
      tpu.enqueue_dma source(%arg9 : memref<200x64xf32, #tpu.memory_space<vmem>>) target(%dma_start3A_231 : memref<200x64xf32, #tpu.memory_space<hbm>>) target_semaphore(%arg16 : memref<!tpu.dma_semaphore, #tpu.memory_space<semaphore_mem>>)
      %add3A_232 = arith.constant 3 : i32
      %add3A_233 = arith.addi %mul3A_123, %add3A_232 : i32
      %min3A_234 = arith.constant 127 : i32
      %min3A_235 = arith.minsi %add3A_233, %min3A_234 : i32
      %add3A_236 = arith.addi %mul3A_2, %min3A_235 : i32
      %mul3A_237 = arith.constant 200 : i32
      %mul3A_238 = arith.muli %add3A_236, %mul3A_237 : i32
      %dma_start3A_239 = arith.constant 0 : i32
      %dma_start3A_240 = tpu.memref_slice %arg7[%dma_start3A_239] : memref<208xi32, #tpu.memory_space<vmem>> -> memref<200xi32, #tpu.memory_space<vmem>>
      %dma_start3A_241 = tpu.memref_slice %arg2[%mul3A_238] : memref<819200xi32, #tpu.memory_space<hbm>> -> memref<200xi32, #tpu.memory_space<hbm>>
      %dma_start3A_242 = arith.constant 0 : i32
      %dma_start3A_243 = tpu.memref_slice %arg7[%dma_start3A_242] : memref<208xi32, #tpu.memory_space<vmem>> -> memref<200xi32, #tpu.memory_space<vmem>>
      %dma_start3A_244 = tpu.memref_slice %arg2[%mul3A_238] : memref<819200xi32, #tpu.memory_space<hbm>> -> memref<200xi32, #tpu.memory_space<hbm>>
      tpu.enqueue_dma source(%dma_start3A_244 : memref<200xi32, #tpu.memory_space<hbm>>) target(%dma_start3A_243 : memref<200xi32, #tpu.memory_space<vmem>>) target_semaphore(%arg12 : memref<!tpu.dma_semaphore, #tpu.memory_space<semaphore_mem>>)
      %add3A_245 = arith.constant 3 : i32
      %add3A_246 = arith.addi %mul3A_123, %add3A_245 : i32
      %min3A_247 = arith.constant 127 : i32
      %min3A_248 = arith.minsi %add3A_246, %min3A_247 : i32
      %add3A_249 = arith.addi %mul3A_2, %min3A_248 : i32
      %mul3A_250 = arith.constant 200 : i32
      %mul3A_251 = arith.muli %add3A_249, %mul3A_250 : i32
      %dma_wait3A_252 = arith.constant 0 : i32
      %dma_wait3A_253 = tpu.memref_slice %arg5[%mul3A_251, %dma_wait3A_252] : memref<819200x128xf32, #tpu.memory_space<hbm>> -> memref<200x64xf32, #tpu.memory_space<hbm>>
      %dma_wait3A_254 = arith.constant 0 : i32
      %dma_wait3A_255 = tpu.memref_slice %arg5[%mul3A_251, %dma_wait3A_254] : memref<819200x128xf32, #tpu.memory_space<hbm>> -> memref<200x64xf32, #tpu.memory_space<hbm>>
      tpu.wait_dma2 semaphore(%arg16 : memref<!tpu.dma_semaphore, #tpu.memory_space<semaphore_mem>>) src(%arg9 : memref<200x64xf32, #tpu.memory_space<vmem>>) dst(%dma_wait3A_255 : memref<200x64xf32, #tpu.memory_space<hbm>>)
      %dma_wait3A_256 = arith.constant 0 : i32
      %dma_wait3A_257 = tpu.memref_slice %arg7[%dma_wait3A_256] : memref<208xi32, #tpu.memory_space<vmem>> -> memref<200xi32, #tpu.memory_space<vmem>>
      %dma_wait3A_258 = arith.constant 0 : i32
      %dma_wait3A_259 = tpu.memref_slice %arg2[%dma_wait3A_258] : memref<819200xi32, #tpu.memory_space<hbm>> -> memref<200xi32, #tpu.memory_space<hbm>>
      %dma_wait3A_260 = arith.constant 0 : i32
      %dma_wait3A_261 = tpu.memref_slice %arg7[%dma_wait3A_260] : memref<208xi32, #tpu.memory_space<vmem>> -> memref<200xi32, #tpu.memory_space<vmem>>
      %dma_wait3A_262 = arith.constant 0 : i32
      %dma_wait3A_263 = tpu.memref_slice %arg2[%dma_wait3A_262] : memref<819200xi32, #tpu.memory_space<hbm>> -> memref<200xi32, #tpu.memory_space<hbm>>
      tpu.wait_dma2 semaphore(%arg12 : memref<!tpu.dma_semaphore, #tpu.memory_space<semaphore_mem>>) src(%dma_wait3A_263 : memref<200xi32, #tpu.memory_space<hbm>>) dst(%dma_wait3A_261 : memref<200xi32, #tpu.memory_space<vmem>>)
      %dma_start3A_264 = arith.constant 0 : i32
      %dma_start3A_265 = arith.constant 0 : i32
      %dma_start3A_266 = tpu.memref_slice %arg9[%dma_start3A_264, %dma_start3A_265] : memref<200x64xf32, #tpu.memory_space<vmem>> -> memref<104x64xf32, #tpu.memory_space<vmem>>
      %dma_start3A_267 = arith.constant 0 : i32
      %dma_start3A_268 = tpu.memref_slice %arg7[%dma_start3A_267] : memref<208xi32, #tpu.memory_space<vmem>> -> memref<104xi32, #tpu.memory_space<vmem>>
      %dma_start3A_269 = arith.constant 0 : i32
      %dma_start3A_270 = arith.constant 0 : i32
      %dma_start3A_271 = tpu.memref_slice %arg3[%dma_start3A_269, %dma_start3A_270] : memref<1000000x64xf32, #tpu.memory_space<hbm>> -> memref<1000000x64xf32, #tpu.memory_space<hbm>>
      tpu.enqueue_indirect_dma source(%dma_start3A_271 : memref<1000000x64xf32, #tpu.memory_space<hbm>>) target(%dma_start3A_266 : memref<104x64xf32, #tpu.memory_space<vmem>>) offsets(%dma_start3A_268 : memref<104xi32, #tpu.memory_space<vmem>>) semaphore(%arg14 : memref<!tpu.dma_semaphore, #tpu.memory_space<semaphore_mem>>)
      %dma_start3A_272 = arith.constant 104 : i32
      %dma_start3A_273 = arith.constant 0 : i32
      %dma_start3A_274 = tpu.memref_slice %arg9[%dma_start3A_272, %dma_start3A_273] : memref<200x64xf32, #tpu.memory_space<vmem>> -> memref<96x64xf32, #tpu.memory_space<vmem>>
      %dma_start3A_275 = arith.constant 104 : i32
      %dma_start3A_276 = tpu.memref_slice %arg7[%dma_start3A_275] : memref<208xi32, #tpu.memory_space<vmem>> -> memref<96xi32, #tpu.memory_space<vmem>>
      %dma_start3A_277 = arith.constant 0 : i32
      %dma_start3A_278 = arith.constant 0 : i32
      %dma_start3A_279 = tpu.memref_slice %arg3[%dma_start3A_277, %dma_start3A_278] : memref<1000000x64xf32, #tpu.memory_space<hbm>> -> memref<1000000x64xf32, #tpu.memory_space<hbm>>
      tpu.enqueue_indirect_dma source(%dma_start3A_279 : memref<1000000x64xf32, #tpu.memory_space<hbm>>) target(%dma_start3A_274 : memref<96x64xf32, #tpu.memory_space<vmem>>) offsets(%dma_start3A_276 : memref<96xi32, #tpu.memory_space<vmem>>) semaphore(%arg14 : memref<!tpu.dma_semaphore, #tpu.memory_space<semaphore_mem>>)
    }
    %scan3A_88 = arith.constant 64 : i32
    %dma_wait3A_89 = arith.constant 0 : i32
    %dma_wait3A_90 = arith.constant 0 : i32
    %dma_wait3A_91 = tpu.memref_slice %arg8[%dma_wait3A_89, %dma_wait3A_90] : memref<200x64xf32, #tpu.memory_space<vmem>> -> memref<104x64xf32, #tpu.memory_space<vmem>>
    %dma_wait3A_92 = arith.constant 0 : i32
    %dma_wait3A_93 = tpu.memref_slice %arg6[%dma_wait3A_92] : memref<208xi32, #tpu.memory_space<vmem>> -> memref<104xi32, #tpu.memory_space<vmem>>
    %dma_wait3A_94 = arith.constant 0 : i32
    %dma_wait3A_95 = arith.constant 0 : i32
    %dma_wait3A_96 = tpu.memref_slice %arg3[%dma_wait3A_94, %dma_wait3A_95] : memref<1000000x64xf32, #tpu.memory_space<hbm>> -> memref<1000000x64xf32, #tpu.memory_space<hbm>>
    tpu.wait_indirect_dma semaphore(%arg13 : memref<!tpu.dma_semaphore, #tpu.memory_space<semaphore_mem>>) src(%dma_wait3A_96 : memref<1000000x64xf32, #tpu.memory_space<hbm>>) dst(%dma_wait3A_91 : memref<104x64xf32, #tpu.memory_space<vmem>>)
    %dma_wait3A_97 = arith.constant 104 : i32
    %dma_wait3A_98 = arith.constant 0 : i32
    %dma_wait3A_99 = tpu.memref_slice %arg8[%dma_wait3A_97, %dma_wait3A_98] : memref<200x64xf32, #tpu.memory_space<vmem>> -> memref<96x64xf32, #tpu.memory_space<vmem>>
    %dma_wait3A_100 = arith.constant 104 : i32
    %dma_wait3A_101 = tpu.memref_slice %arg6[%dma_wait3A_100] : memref<208xi32, #tpu.memory_space<vmem>> -> memref<96xi32, #tpu.memory_space<vmem>>
    %dma_wait3A_102 = arith.constant 0 : i32
    %dma_wait3A_103 = arith.constant 0 : i32
    %dma_wait3A_104 = tpu.memref_slice %arg3[%dma_wait3A_102, %dma_wait3A_103] : memref<1000000x64xf32, #tpu.memory_space<hbm>> -> memref<1000000x64xf32, #tpu.memory_space<hbm>>
    tpu.wait_indirect_dma semaphore(%arg13 : memref<!tpu.dma_semaphore, #tpu.memory_space<semaphore_mem>>) src(%dma_wait3A_104 : memref<1000000x64xf32, #tpu.memory_space<hbm>>) dst(%dma_wait3A_99 : memref<96x64xf32, #tpu.memory_space<vmem>>)
    %dma_wait3A_105 = arith.constant 0 : i32
    %dma_wait3A_106 = arith.constant 0 : i32
    %dma_wait3A_107 = tpu.memref_slice %arg9[%dma_wait3A_105, %dma_wait3A_106] : memref<200x64xf32, #tpu.memory_space<vmem>> -> memref<104x64xf32, #tpu.memory_space<vmem>>
    %dma_wait3A_108 = arith.constant 0 : i32
    %dma_wait3A_109 = tpu.memref_slice %arg7[%dma_wait3A_108] : memref<208xi32, #tpu.memory_space<vmem>> -> memref<104xi32, #tpu.memory_space<vmem>>
    %dma_wait3A_110 = arith.constant 0 : i32
    %dma_wait3A_111 = arith.constant 0 : i32
    %dma_wait3A_112 = tpu.memref_slice %arg3[%dma_wait3A_110, %dma_wait3A_111] : memref<1000000x64xf32, #tpu.memory_space<hbm>> -> memref<1000000x64xf32, #tpu.memory_space<hbm>>
    tpu.wait_indirect_dma semaphore(%arg14 : memref<!tpu.dma_semaphore, #tpu.memory_space<semaphore_mem>>) src(%dma_wait3A_112 : memref<1000000x64xf32, #tpu.memory_space<hbm>>) dst(%dma_wait3A_107 : memref<104x64xf32, #tpu.memory_space<vmem>>)
    %dma_wait3A_113 = arith.constant 104 : i32
    %dma_wait3A_114 = arith.constant 0 : i32
    %dma_wait3A_115 = tpu.memref_slice %arg9[%dma_wait3A_113, %dma_wait3A_114] : memref<200x64xf32, #tpu.memory_space<vmem>> -> memref<96x64xf32, #tpu.memory_space<vmem>>
    %dma_wait3A_116 = arith.constant 104 : i32
    %dma_wait3A_117 = tpu.memref_slice %arg7[%dma_wait3A_116] : memref<208xi32, #tpu.memory_space<vmem>> -> memref<96xi32, #tpu.memory_space<vmem>>
    %dma_wait3A_118 = arith.constant 0 : i32
    %dma_wait3A_119 = arith.constant 0 : i32
    %dma_wait3A_120 = tpu.memref_slice %arg3[%dma_wait3A_118, %dma_wait3A_119] : memref<1000000x64xf32, #tpu.memory_space<hbm>> -> memref<1000000x64xf32, #tpu.memory_space<hbm>>
    tpu.wait_indirect_dma semaphore(%arg14 : memref<!tpu.dma_semaphore, #tpu.memory_space<semaphore_mem>>) src(%dma_wait3A_120 : memref<1000000x64xf32, #tpu.memory_space<hbm>>) dst(%dma_wait3A_115 : memref<96x64xf32, #tpu.memory_space<vmem>>)
    return
  }
}

</mosaic_0001>

<sc_bundles>
// kernel: _run.3.cloned.1.call-start
scs
__scs_entry_jumppad:
0x0: {  	(pc) =	sbr.rel $0x88, $3  }
0x1: {  	(tag) =	ssettag $0x0;
	lr =	simm.s32 $0x1  }
0x2: {  	[smem:$0x3F9E] =	sst lr;
	_ =	strace $0xD0000000  }
0x3: {  	_ = 	snop  }
0x4: {  	_ = 	snop  }
0x5: {  	_ = 	snop  }
0x6: {  	_ = 	snop  }
0x7: {  	_ = 	snop  }
__scs_overlays_trampoline_lowered:
0x8: {  	[smem:$0x3FAD] =	sst s0  }
0x9: {  	[smem:$0x3FAE] =	sst s1  }
0xa: {  	[smem:$0x3FAF] =	sst s2  }
0xb: {  	[smem:$0x3FB0] =	sst s3  }
0xc: {  	[smem:$0x3FB1] =	sst s4  }
0xd: {  	[smem:$0x3FB2] =	sst s5  }
0xe: {  	[smem:$0x3FB3] =	sst s6  }
0xf: {  	[smem:$0x3FB4] =	sst s7  }
0x10: {  	[smem:$0x3FB5] =	sst s8  }
0x11: {  	[smem:$0x3FB6] =	sst s9;
	s0 =	simm.s32 @!p0 $0x0  }
0x12: {  	s1 =	sld [smem:$0x3F9C];
	s0 =	simm.s32 @p0 $0x1  }
0x13: {  	[smem:$0x3FB7] =	sst s0;
	s0 =	simm.s32 @!p1 $0x0  }
0x14: {  	s2 =	sld [smem:$0x3F9B];
	s0 =	simm.s32 @p1 $0x1  }
0x15: {  	[smem:$0x3FB8] =	sst s0;
	s0 =	simm.s32 @!p2 $0x0  }
0x16: {  	s3 =	sld [smem:$0x3FDB];
	s0 =	simm.s32 @p2 $0x1  }
0x17: {  	s4 =	simm.s32 $0x1BF5;
	[smem:$0x3FBA] =	sst s0  }
0x18: {  	s0 =	sld [smem:$0x3F9D];
	_ =	swait.ge [sflag:s4], $0x0  }
0x19: {  	s7 =	sld [smem:$0x3F9E]  }
0x1a: {  	s8 =	sadd.s32 $0xFFFFE003, lr  }
0x1b: {  	s9 =	sadd.s32 $0xFFFFFEF7, lr;
	s5 =	simm.s32 $0xFFFFFFFF;
	p2 =	slt.u32 s8, $0xFFFFF086  }
0x1c: {  	p1 =	slt.u32 s9, $0xF7A;
	s5 =	simm.s32 @!p2 $0x0  }
0x1d: {  	s5 =	simm.s32 @p1 $0x1;
	p0 =	seq.s32 s7, s2  }
0x1e: {  	s7 =	smul.u32 @!p0 $0xF7A, s2;
	p2 =	seq.s32 @!p0 s5, $0x0  }
0x1f: {  	s9 =	smul.u32 $0xF7A, s1;
	s8 =	simm.s32 @!p0 $0x1BF5;
	p2 =	por !p2, p0  }
0x20: {  	[sflag:s8] =	ssyncset.s32 @!p0 $0xFFFFF086;
	s6 =	sadd.s32 @!p0 s3, s7;
	s7 =	simm.s32 @!p0 $0x108  }
0x21: {  	s3 =	sadd.s32 s3, s9;
	s6 =	sadd.s32 @!p0 $0x88, s6;
	s7 =	simm.s32 @p2 $0x1082  }
0x22: {  	[simem:s7], [sflag:s8] =	dma.local @!p0 [hbm:s6], $0xF7A  }
0x23: {  	s9 =	sor.u32 $0xD0000000, s2;
	s6 =	simm.s32 $0x108;
	_ =	swait.ge @!p0 [sflag:s8], $0x0  }
0x24: {  	s3 =	sadd.s32 $0x88, s3;
	s6 =	simm.s32 @!p1 $0x1082;
	[sflag:s4] =	ssyncset.s32 $0xFFFFF086  }
0x25: {  	[simem:s6], [sflag:s4] =	dma.local [hbm:s3], $0xF7A  }
0x26: {  	[smem:$0x3F9E] =	sst s1;
	(tag) =	ssettag s2;
	_ =	strace s9  }
0x27: {  	s1 =	sld [smem:$0x3FAE]  }
0x28: {  	s2 =	sld [smem:$0x3FAF]  }
0x29: {  	s4 =	sld [smem:$0x3FB1]  }
0x2a: {  	p0 =	seq.s32 s5, $0x0;
	s5 =	sld [smem:$0x3FB2]  }
0x2b: {  	s6 =	sld [smem:$0x3FB3]  }
0x2c: {  	s7 =	sld [smem:$0x3FB4]  }
0x2d: {  	s3 =	simm.s32 $0x108;
	s8 =	sld [smem:$0x3FB5]  }
0x2e: {  	s3 =	simm.s32 @!p0 $0x1082;
	s9 =	sld [smem:$0x3FB6]  }
0x2f: {  	lr =	sadd.s32 s0, s3;
	s0 =	sld [smem:$0x3FAD]  }
0x30: {  	s3 =	sld [smem:$0x3FB0]  }
0x31: {  	[smem:$0x3FB9] =	sst s10  }
0x32: {  	s10 =	sld [smem:$0x3FB7];
	_ =	sdelay $0x3  }
0x33: {  	p0 =	seq.s32 s10, $0x1;
	s10 =	sld [smem:$0x3FB9];
	_ =	sdelay $0x3  }
0x34: {  	[smem:$0x3FB9] =	sst s10  }
0x35: {  	s10 =	sld [smem:$0x3FB8];
	_ =	sdelay $0x3  }
0x36: {  	p1 =	seq.s32 s10, $0x1;
	s10 =	sld [smem:$0x3FB9];
	_ =	sdelay $0x3  }
0x37: {  	[smem:$0x3FB9] =	sst s10  }
0x38: {  	s10 =	sld [smem:$0x3FBA]  }
0x39: {  	_ = 	snop;
	(pc) =	sbr.ind lr, $3  }
0x3a: {  	_ = 	snop  }
0x3b: {  	_ = 	snop  }
0x3c: {  	p2 =	seq.s32 s10, $0x1;
	s10 =	sld [smem:$0x3FB9]  }
0x3d: {  	_ =	shalt  }
0x3e: {  	_ =	shalt  }
0x3f: {  	_ =	shalt  }
0x40: {  	_ =	shalt  }
0x41: {  	_ =	shalt  }
0x42: {  	_ =	shalt  }
0x43: {  	_ =	shalt  }
0x44: {  	_ =	shalt  }
0x45: {  	_ =	shalt  }
0x46: {  	_ =	shalt  }
0x47: {  	_ =	shalt  }
0x48: {  	_ =	shalt  }
0x49: {  	_ =	shalt  }
0x4a: {  	_ =	shalt  }
0x4b: {  	_ =	shalt  }
0x4c: {  	_ =	shalt  }
0x4d: {  	_ =	shalt  }
0x4e: {  	_ =	shalt  }
0x4f: {  	_ =	shalt  }
0x50: {  	_ =	shalt  }
0x51: {  	_ =	shalt  }
0x52: {  	_ =	shalt  }
0x53: {  	_ =	shalt  }
0x54: {  	_ =	shalt  }
0x55: {  	_ =	shalt  }
0x56: {  	_ =	shalt  }
0x57: {  	_ =	shalt  }
0x58: {  	_ =	shalt  }
0x59: {  	_ =	shalt  }
0x5a: {  	_ =	shalt  }
0x5b: {  	_ =	shalt  }
0x5c: {  	_ =	shalt  }
0x5d: {  	_ =	shalt  }
0x5e: {  	_ =	shalt  }
0x5f: {  	_ =	shalt  }
0x60: {  	_ =	shalt  }
0x61: {  	_ =	shalt  }
0x62: {  	_ =	shalt  }
0x63: {  	_ =	shalt  }
0x64: {  	_ =	shalt  }
0x65: {  	_ =	shalt  }
0x66: {  	_ =	shalt  }
0x67: {  	_ =	shalt  }
0x68: {  	_ =	shalt  }
0x69: {  	_ =	shalt  }
0x6a: {  	_ =	shalt  }
0x6b: {  	_ =	shalt  }
0x6c: {  	_ =	shalt  }
0x6d: {  	_ =	shalt  }
0x6e: {  	_ =	shalt  }
0x6f: {  	_ =	shalt  }
0x70: {  	_ =	shalt  }
0x71: {  	_ =	shalt  }
0x72: {  	_ =	shalt  }
0x73: {  	_ =	shalt  }
0x74: {  	_ =	shalt  }
0x75: {  	_ =	shalt  }
0x76: {  	_ =	shalt  }
0x77: {  	_ =	shalt  }
0x78: {  	_ =	shalt  }
0x79: {  	_ =	shalt  }
0x7a: {  	_ =	shalt  }
0x7b: {  	_ =	shalt  }
0x7c: {  	_ =	shalt  }
0x7d: {  	_ =	shalt  }
0x7e: {  	_ =	shalt  }
0x7f: {  	_ =	shalt  }
0x80: {  	_ =	shalt  }
0x81: {  	_ =	shalt  }
0x82: {  	_ =	shalt  }
0x83: {  	_ =	shalt  }
0x84: {  	_ =	shalt  }
0x85: {  	_ =	shalt  }
0x86: {  	_ =	shalt  }
0x87: {  	_ =	shalt  }
.Lfunc_end0:
.L_simem_size_0:
called_computation_lowered:
.L_overlay_start_0:
0x88: {  	s2 =	sld [smem:$0x3FD9]  }
0x89: {  	s3 =	sld [smem:$0x3FFE];
	_ =	sdelay $0x1  }
0x8a: {  	s1 =	srdreg.scid  }
0x8b: {  	s0 =	sand.u32 $0x1, s1  }
0x8c: {  	s17 =	sshll.u32 s0, $0xA;
	s2 =	sadd.s32 s3, s2  }
0x8d: {  	s2 =	sadd.s32 s2, s17  }
0x8e: {  	[smem:$0x3FC5] =	sst s2  }
0x8f: {  	_ = 	snop  }
0x90: {  	s2 =	sld [smem:$0x3FC9]  }
0x91: {  	s18 =	sld [smem:$0x3FD0];
	(tm) =	ssettm $0x1  }
0x92: {  	s4 =	sld [smem:$0x3FFB];
	_ =	sdelay $0x3  }
0x93: {  	_ =	strace s4  }
0x94: {  	s4 =	sld [smem:$0x3FFC];
	_ =	sdelay $0x3  }
0x95: {  	_ =	strace s4  }
0x96: {  	s4 =	sld [smem:$0x3FFD];
	_ =	sdelay $0x3  }
0x97: {  	_ =	strace s4  }
0x98: {  	_ =	strace $0x8FFFFFFF  }
0x99: {  	s19 =	sld [smem:$0x3FDB];
	_ =	sdelay $0x1  }
0x9a: {  	s5 =	simm.s32 $_scs_section_size  }
0x9b: {  	s6 =	simm.s32 $_size__tile_overlayer_lowered;
	s7 =	simm.s32 $_tile_overlayer_lowered  }
0x9c: {  	s22 =	simm.s32 $0x1BFF;
	s21 =	sshll.u32 s7, $0x1;
	s4 =	sadd.s32 s5, s19  }
0x9d: {  	s8 =	simm.s32 $0x0;
	s20 =	sshll.u32 s6, $0x1;
	s6 =	sadd.s32 s21, s4  }
0x9e: {  	[timem:s8], [sflag:s22] =	dma.local [hbm:s6], s20  }
0x9f: {  	_ =	swait.ge [sflag:s22], s20  }
0xa0: {  	s5 =	ssub.s32 $0x0, s20;
	[sflag:s22] =	ssyncset.done $0x0  }
0xa1: {  	[sflag:s22] =	ssyncadd.s32 s5;
	_ =	sdelay $0x1  }
0xa2: {  	s23 =	simm.s32 $0x1B8B  }
0xa3: {  	_ =	swait.ge [sflag:s23], $0x1  }
0xa4: {  	[sflag:s23] =	ssyncset.done $0x0  }
0xa5: {  	s25 =	simm.s32 $0x1B8E;
	s24 =	sld [smem:$0x3FFE];
	[sflag:s23] =	ssyncadd.s32 $0xFFFFFFFF  }
0xa6: {  	s26 =	simm.s32 $execute0_lowered;
	[smem:$0x3FD2] =	sst s25  }
0xa7: {  	s6 =	sshll.u32 s26, $0x1;
	_ =	strace $0x80000046;
	[dreg:$0x1] =	wrdreg $0xFFFFFFFF  }
0xa8: {  	s28 =	simm.s32 $_size_execute0_lowered;
	s4 =	sadd.s32 s4, s6;
	[dreg:$0x0] =	wrdreg $0x0  }
0xa9: {  	s6 =	sshll.u32 s28, $0x1;
	[dreg:$0x2] =	wrdreg s4  }
0xaa: {  	[dreg:$0x3] =	wrdreg s6  }
0xab: {  	[dreg:$0x4] =	wrdreg $0xC0  }
0xac: {  	_ =	task [dreg:s8], $0x5FFFF  }
0xad: {  	[dreg:$0x1] =	wrdreg $0xFFFFFFFF  }
0xae: {  	[dreg:$0x0] =	wrdreg $0x60  }
0xaf: {  	[dreg:$0x2] =	wrdreg s2  }
0xb0: {  	[dreg:$0x3] =	wrdreg s24  }
0xb1: {  	[dreg:$0x4] =	wrdreg s18  }
0xb2: {  	[dreg:$0x5] =	wrdreg $0x9  }
0xb3: {  	_ =	task.clear_ibuf [dreg:s8], $0x6FFFF;
	_ =	strace $0x90000046  }
0xb4: {  	s29 =	simm.s32 $0x9;
	_ =	strace $0x80000048  }
0xb5: {  	_ =	swait.ge [sflag:s29], $0x1  }
0xb6: {  	[sflag:s29] =	ssyncadd.s32 $0xFFFFFFFF  }
0xb7: {  	_ =	strace $0x90000048  }
0xb8: {  	_ =	sfence  }
0xb9: {  	s30 =	sld [smem:$0x0];
	_ =	sdelay $0x2  }
0xba: {  	s31 =	sshll.u32 s1, $0xD;
	s1 =	sshrl.u32 s1, $0x2  }
0xbb: {  	s3 =	sand.u32 $0x4000, s31;
	s1 =	sadd.s32 s1, s30  }
0xbc: {  	s0 =	sor.u32 s3, s0;
	s1 =	sshll.u32 s1, $0x11  }
0xbd: {  	s0 =	sor.u32 s1, s0  }
0xbe: {  	s0 =	sadd.s32 $0x8F2B, s0  }
0xbf: {  	[sflag:s0] =	ssyncadd.remote.s32 $0x1  }
0xc0: {  	_ =	sfence.sel $0xFFFF  }
0xc1: {  	[dreg:$0x0] =	wrdreg $0xFFFFFFFF;
	(pc) =	sbr.abs _section_cstart, $3  }
0xc2: {  	[dreg:$0x1] =	wrdreg $0xFFFFFFFF  }
0xc3: {  	_ =	task.clear_ibuf [dreg:s8], $0x2FFFF;
	_ =	strace $0x9FFFFFFF  }
0xc4: {  	(tm) =	ssettm $0x7FFFFFFF  }
0xc5: {  	_ =	shalt  }
tec
execute0_lowered:
.L_overlay_start_1:
0x0: {  	(tag) =	ssettag $0x1  }
0x1: {  	s1 =	rddreg [dreg:$0x0]  }
0x2: {  	s0 =	rddreg [dreg:$0x1]  }
0x3: {  	s3 =	rddreg [dreg:$0x2]  }
0x4: {  	s2 =	srdreg.scid;
	s5 =	stileid.u32  }
0x5: {  	s4 =	simm.s32 $0x0;
	s14 =	simm.s32 $0x7;
	s15 =	simm.s32 $0xD0  }
0x6: {  	s16 =	simm.s32 $0x1;
	s17 =	simm.s32 $0x68;
	s18 =	simm.s32 $0x1A0  }
0x7: {  	s19 =	simm.s32 $0x60;
	s20 =	simm.s32 $0x1BA0;
	s21 =	simm.s32 $0x2  }
0x8: {  	s22 =	simm.s32 $0x33A0;
	s23 =	simm.s32 $0x138;
	s24 =	simm.s32 $0x4DA0  }
0x9: {  	s28 =	simm.s32 $0x80;
	s29 =	simm.s32 $0x5;
	s30 =	simm.s32 $0x4  }
0xa: {  	s2 =	sand.u32 $0x1, s2;
	s5 =	sshll.u32 s5, $0x1;
	[smem:$0x7FF] =	sst s4  }
0xb: {  	s31 =	simm.s32 $0x6;
	s6 =	sor.u32 s2, s5;
	_ =	strace $0x80000047  }
0xc: {  	s5 =	sadd.s32 $0xF42A00, s0;
	s0 =	sadd.s32 $0x600, s0;
	s25 =	ssub.s32 $0x2, s2  }
0xd: {  	s8 =	smul.u32 $0xC80, s6;
	s2 =	sshrl.u32 s25, $0x1;
	s7 =	sshll.u32 s6, $0x7  }
0xe: {  	[dreg:$0x4] =	wrdreg s0;
	s0 =	ssub.s32 s25, s2;
	s10 =	sor.u32 $0x2, s7  }
0xf: {  	s11 =	sor.u32 $0x3, s7;
	s8 =	sadd.s32 s1, s8;
	s0 =	smax.u32 s0, $0x1  }
0x10: {  	s25 =	simm.s32 $0x3;
	s26 =	sadd.s32 $0x19, s8;
	[dreg:$0x6] =	wrdreg s0  }
0x11: {  	s0 =	simm.s32 $0x0;
	[dreg:$0x5] =	wrdreg s26;
	s26 =	simm.s32 $0x40  }
.LBB2_1:
0x12: {  	s2 =	rddreg [dreg:$0x4];
	s6 =	simm.s32 $0x65A0  }
0x13: {  	[tilespmem:s6], [sflag:$0x7] =	stream.linear.gather [hbm4b:s2+s4], $0x3200, $0x38;
	[tilespmem:$0x97A0] =	vst v63  }
0x14: {  	_ =	swait.ge [sflag:s14], $0x3200  }
0x15: {  	[sflag:s14] =	ssyncset.done $0x0  }
0x16: {  	[sflag:s14] =	ssyncadd.s32 $0xFFFFCE00  }
0x17: {  	[tilespmem:s4], [sflag:$0x1] =	stream.linear.gather [hbm4b:s8+s4], $0xC8, $0x38;
	[tilespmem:$0x97A0] =	vst v63  }
0x18: {  	s13 =	rddreg [dreg:$0x5]  }
0x19: {  	[tilespmem:s15], [sflag:$0x2] =	stream.linear.gather [hbm4b:s13+s4], $0xC8, $0x38;
	[tilespmem:$0x97A0] =	vst v63  }
0x1a: {  	_ =	swait.ge [sflag:s16], $0xC8  }
0x1b: {  	[sflag:s16] =	ssyncset.done $0x0  }
0x1c: {  	[sflag:s16] =	ssyncadd.s32 $0xFFFFFF38  }
0x1d: {  	[tilespmem:s18], [sflag:$0x3] =	stream.indirect.gather [hbm4b:s5+s17], $0x40, s4, s17, $0xb8;
	[tilespmem:$0x97A0] =	vst v63  }
0x1e: {  	_ = 	snop  }
0x1f: {  	[tilespmem:s20], [sflag:$0x3] =	stream.indirect.gather [hbm4b:s5+s19], $0x40, s17, s19, $0xb8;
	[tilespmem:$0x97A0] =	vst v63  }
0x20: {  	_ =	swait.ge [sflag:s21], $0xC8  }
0x21: {  	[sflag:s21] =	ssyncset.done $0x0  }
0x22: {  	[sflag:s21] =	ssyncadd.s32 $0xFFFFFF38  }
0x23: {  	[tilespmem:s22], [sflag:$0x4] =	stream.indirect.gather [hbm4b:s5+s17], $0x40, s15, s17, $0xb8;
	[tilespmem:$0x97A0] =	vst v63  }
0x24: {  	s2 =	simm.s32 $0x0  }
0x25: {  	[tilespmem:s24], [sflag:$0x4] =	stream.indirect.gather [hbm4b:s5+s19], $0x40, s23, s19, $0xb8;
	[tilespmem:$0x97A0] =	vst v63  }
.LBB2_2:
0x26: {  	_ =	swait.ge [sflag:s25], $0x1A00  }
0x27: {  	[sflag:s25] =	ssyncset.done $0x0  }
0x28: {  	[sflag:s25] =	ssyncadd.s32 $0xFFFFE600  }
0x29: {  	_ =	swait.ge [sflag:s25], $0x1800  }
0x2a: {  	[sflag:s25] =	ssyncset.done $0x0  }
0x2b: {  	s6 =	simm.s32 $0x0;
	[sflag:s25] =	ssyncadd.s32 $0xFFFFE800  }
0x2c: {  	v6 =	vld [tilespmem:s6+$0x65A0]  }
0x2d: {  	v7 =	vld [tilespmem:s6+$0x65B0]  }
0x2e: {  	v8 =	vld [tilespmem:s6+$0x65C0]  }
0x2f: {  	v9 =	vld [tilespmem:s6+$0x65D0]  }
0x30: {  	v10 =	vld [tilespmem:s6+$0x65E0]  }
0x31: {  	v11 =	vld [tilespmem:s6+$0x65F0]  }
0x32: {  	v12 =	vld [tilespmem:s6+$0x6600]  }
0x33: {  	v13 =	vld [tilespmem:s6+$0x6610]  }
0x34: {  	v14 =	vld [tilespmem:s6+$0x6620]  }
0x35: {  	v15 =	vld [tilespmem:s6+$0x6630]  }
0x36: {  	v5 =	vld [tilespmem:s6+$0x6640]  }
0x37: {  	v4 =	vld [tilespmem:s6+$0x6650]  }
0x38: {  	v3 =	vld [tilespmem:s6+$0x6660]  }
0x39: {  	v2 =	vld [tilespmem:s6+$0x6670]  }
0x3a: {  	v1 =	vld [tilespmem:s6+$0x6680]  }
0x3b: {  	v0 =	vld [tilespmem:s6+$0x6690]  }
0x3c: {  	v16 =	vld [tilespmem:s6+$0x1A0]  }
0x3d: {  	v17 =	vld [tilespmem:s6+$0x1B0]  }
0x3e: {  	v18 =	vld [tilespmem:s6+$0x1C0]  }
0x3f: {  	v19 =	vld [tilespmem:s6+$0x1D0]  }
0x40: {  	v20 =	vld [tilespmem:s6+$0x1E0]  }
0x41: {  	v60 =	vld [tilespmem:s6+$0x1F0];
	v6 =	vadd.f32 v6, v16  }
0x42: {  	v21 =	vld [tilespmem:s6+$0x200];
	v7 =	vadd.f32 v7, v17  }
0x43: {  	v61 =	vld [tilespmem:s6+$0x210];
	[tilespmem:s6+$0x1A0] =	vst v6;
	v6 =	vadd.f32 v8, v18  }
0x44: {  	v62 =	vld [tilespmem:s6+$0x220];
	[tilespmem:s6+$0x1B0] =	vst v7;
	v7 =	vadd.f32 v9, v19  }
0x45: {  	v63 =	vld [tilespmem:s6+$0x230];
	[tilespmem:s6+$0x1C0] =	vst v6;
	v6 =	vadd.f32 v10, v20  }
0x46: {  	v8 =	vadd.f32 v11, v60;
	[tilespmem:s6+$0x1D0] =	vst v7;
	v7 =	vld [tilespmem:s6+$0x240]  }
0x47: {  	v9 =	vadd.f32 v12, v21;
	[tilespmem:s6+$0x1E0] =	vst v6;
	v6 =	vld [tilespmem:s6+$0x250]  }
0x48: {  	[tilespmem:s6+$0x1F0] =	vst v8;
	v8 =	vld [tilespmem:s6+$0x260];
	v10 =	vadd.f32 v13, v61  }
0x49: {  	v12 =	vadd.f32 v14, v62;
	[tilespmem:s6+$0x200] =	vst v9;
	v9 =	vld [tilespmem:s6+$0x270]  }
0x4a: {  	s13 =	simm.s32 $0x400;
	v11 =	vadd.f32 v15, v63;
	[tilespmem:s6+$0x210] =	vst v10;
	v10 =	vld [tilespmem:s6+$0x280]  }
.LBB2_3:
0x4b: {  	s9 =	sshra.s32 s13, $0x2;
	p0 =	sne.s32 s13, $0xC400;
	[tilespmem:s6+$0x220] =	vst v12;
	v5 =	vadd.f32 v5, v7;
	v7 =	vld [tilespmem:s6+$0x290]  }
0x4c: {  	v12 =	vld [tilespmem:s9+$0x65A0];
	[tilespmem:s6+$0x230] =	vst v11;
	v4 =	vadd.f32 v4, v6  }
0x4d: {  	v6 =	vld [tilespmem:s9+$0x65B0];
	[tilespmem:s6+$0x240] =	vst v5;
	v3 =	vadd.f32 v3, v8  }
0x4e: {  	v8 =	vld [tilespmem:s9+$0x65C0];
	[tilespmem:s6+$0x250] =	vst v4;
	v2 =	vadd.f32 v2, v9  }
0x4f: {  	v9 =	vld [tilespmem:s9+$0x65D0];
	[tilespmem:s6+$0x260] =	vst v3;
	v1 =	vadd.f32 v1, v10  }
0x50: {  	v10 =	vld [tilespmem:s9+$0x65E0];
	[tilespmem:s6+$0x270] =	vst v2;
	v0 =	vadd.f32 v0, v7  }
0x51: {  	v7 =	vld [tilespmem:s9+$0x65F0];
	[tilespmem:s6+$0x280] =	vst v1  }
0x52: {  	v11 =	vld [tilespmem:s9+$0x6600];
	[tilespmem:s6+$0x290] =	vst v0;
	s6 =	smov.u32 s9  }
0x53: {  	v13 =	vld [tilespmem:s6+$0x6610]  }
0x54: {  	v14 =	vld [tilespmem:s6+$0x6620]  }
0x55: {  	v15 =	vld [tilespmem:s6+$0x6630]  }
0x56: {  	v5 =	vld [tilespmem:s6+$0x6640]  }
0x57: {  	v4 =	vld [tilespmem:s6+$0x6650]  }
0x58: {  	v3 =	vld [tilespmem:s6+$0x6660]  }
0x59: {  	v2 =	vld [tilespmem:s6+$0x6670]  }
0x5a: {  	v1 =	vld [tilespmem:s6+$0x6680]  }
0x5b: {  	v0 =	vld [tilespmem:s6+$0x6690]  }
0x5c: {  	v16 =	vld [tilespmem:s6+$0x1A0]  }
0x5d: {  	v17 =	vld [tilespmem:s6+$0x1B0]  }
0x5e: {  	v18 =	vld [tilespmem:s6+$0x1C0]  }
0x5f: {  	v19 =	vld [tilespmem:s6+$0x1D0]  }
0x60: {  	v20 =	vld [tilespmem:s6+$0x1E0]  }
0x61: {  	v12 =	vadd.f32 v12, v16;
	v16 =	vld [tilespmem:s6+$0x1F0]  }
0x62: {  	v6 =	vadd.f32 v6, v17;
	v17 =	vld [tilespmem:s6+$0x200]  }
0x63: {  	[tilespmem:s6+$0x1A0] =	vst v12;
	v8 =	vadd.f32 v8, v18;
	v12 =	vld [tilespmem:s6+$0x210]  }
0x64: {  	[tilespmem:s6+$0x1B0] =	vst v6;
	v6 =	vadd.f32 v9, v19;
	v9 =	vld [tilespmem:s6+$0x220]  }
0x65: {  	[tilespmem:s6+$0x1C0] =	vst v8;
	v8 =	vadd.f32 v10, v20;
	v10 =	vld [tilespmem:s6+$0x230]  }
.Ltmp0:
0x66: {  	[tilespmem:s6+$0x1D0] =	vst v6;
	v16 =	vadd.f32 v7, v16;
	v7 =	vld [tilespmem:s6+$0x240];
	(pc) =	sbr.rel @p0 .LBB2_3-.Ltmp0, $4  }
0x67: {  	[tilespmem:s6+$0x1E0] =	vst v8;
	v11 =	vadd.f32 v11, v17;
	v6 =	vld [tilespmem:s6+$0x250]  }
0x68: {  	[tilespmem:s6+$0x1F0] =	vst v16;
	v13 =	vadd.f32 v13, v12;
	v8 =	vld [tilespmem:s6+$0x260]  }
0x69: {  	[tilespmem:s6+$0x200] =	vst v11;
	v12 =	vadd.f32 v14, v9;
	v9 =	vld [tilespmem:s6+$0x270]  }
0x6a: {  	s13 =	sadd.s32 $0x400, s13;
	[tilespmem:s6+$0x210] =	vst v13;
	v11 =	vadd.f32 v15, v10;
	v10 =	vld [tilespmem:s6+$0x280]  }
0x6b: {  	[tilespmem:s6+$0x220] =	vst v12;
	v5 =	vadd.f32 v5, v7;
	v7 =	vld [tilespmem:s6+$0x290]  }
0x6c: {  	[tilespmem:s6+$0x230] =	vst v11;
	v4 =	vadd.f32 v4, v6  }
0x6d: {  	[tilespmem:s6+$0x240] =	vst v5;
	v3 =	vadd.f32 v3, v8  }
0x6e: {  	s13 =	sshll.u32 s2, $0x1;
	[tilespmem:s6+$0x250] =	vst v4;
	v2 =	vadd.f32 v2, v9  }
0x6f: {  	s9 =	sadd.s32 s7, s13;
	[tilespmem:s6+$0x260] =	vst v3;
	v1 =	vadd.f32 v1, v10  }
0x70: {  	s12 =	smin.u32 s13, $0x7D;
	s9 =	smul.u32 $0xC80, s9;
	[tilespmem:s6+$0x270] =	vst v2;
	v0 =	vadd.f32 v0, v7  }
0x71: {  	s12 =	sadd.s32 s12, s10;
	[tilespmem:s6+$0x280] =	vst v1  }
0x72: {  	s12 =	smul.u32 $0x19, s12;
	s9 =	sadd.s32 s3, s9;
	[tilespmem:s6+$0x290] =	vst v0  }
0x73: {  	[hbm4b:s9+s26] =	stream.strided.scatter [tilespmem:s18], [sflag:$0x5], $0x3200, s28, s26, $0x38;
	[tilespmem:$0x97A0] =	vst v63  }
0x74: {  	s9 =	sadd.s32 s1, s12;
	s12 =	simm.s32 $0x0  }
0x75: {  	[tilespmem:s12], [sflag:$0x1] =	stream.linear.gather [hbm4b:s9+s12], $0xC8, $0x38;
	[tilespmem:$0x97A0] =	vst v63  }
0x76: {  	_ =	swait.ge [sflag:s29], $0x3200  }
0x77: {  	[sflag:s29] =	ssyncset.done $0x0  }
0x78: {  	[sflag:s29] =	ssyncadd.s32 $0xFFFFCE00  }
0x79: {  	_ =	swait.ge [sflag:s16], $0xC8  }
0x7a: {  	[sflag:s16] =	ssyncset.done $0x0  }
0x7b: {  	[sflag:s16] =	ssyncadd.s32 $0xFFFFFF38  }
0x7c: {  	[tilespmem:s18], [sflag:$0x3] =	stream.indirect.gather [hbm4b:s5+s17], $0x40, s12, s17, $0xb8;
	[tilespmem:$0x97A0] =	vst v63  }
0x7d: {  	_ = 	snop  }
0x7e: {  	[tilespmem:s20], [sflag:$0x3] =	stream.indirect.gather [hbm4b:s5+s19], $0x40, s17, s19, $0xb8;
	[tilespmem:$0x97A0] =	vst v63  }
0x7f: {  	_ =	swait.ge [sflag:s30], $0x1A00  }
0x80: {  	[sflag:s30] =	ssyncset.done $0x0  }
0x81: {  	[sflag:s30] =	ssyncadd.s32 $0xFFFFE600  }
0x82: {  	_ =	swait.ge [sflag:s30], $0x1800  }
0x83: {  	[sflag:s30] =	ssyncset.done $0x0  }
0x84: {  	s6 =	simm.s32 $0x0;
	[sflag:s30] =	ssyncadd.s32 $0xFFFFE800  }
0x85: {  	v6 =	vld [tilespmem:s6+$0x65A0]  }
0x86: {  	v7 =	vld [tilespmem:s6+$0x65B0]  }
0x87: {  	v8 =	vld [tilespmem:s6+$0x65C0]  }
0x88: {  	v9 =	vld [tilespmem:s6+$0x65D0]  }
0x89: {  	v10 =	vld [tilespmem:s6+$0x65E0]  }
0x8a: {  	v11 =	vld [tilespmem:s6+$0x65F0]  }
0x8b: {  	v12 =	vld [tilespmem:s6+$0x6600]  }
0x8c: {  	v13 =	vld [tilespmem:s6+$0x6610]  }
0x8d: {  	v14 =	vld [tilespmem:s6+$0x6620]  }
0x8e: {  	v15 =	vld [tilespmem:s6+$0x6630]  }
0x8f: {  	v5 =	vld [tilespmem:s6+$0x6640]  }
0x90: {  	v4 =	vld [tilespmem:s6+$0x6650]  }
0x91: {  	v3 =	vld [tilespmem:s6+$0x6660]  }
0x92: {  	v2 =	vld [tilespmem:s6+$0x6670]  }
0x93: {  	v1 =	vld [tilespmem:s6+$0x6680]  }
0x94: {  	v0 =	vld [tilespmem:s6+$0x6690]  }
0x95: {  	v16 =	vld [tilespmem:s6+$0x33A0]  }
0x96: {  	v17 =	vld [tilespmem:s6+$0x33B0]  }
0x97: {  	v18 =	vld [tilespmem:s6+$0x33C0]  }
0x98: {  	v19 =	vld [tilespmem:s6+$0x33D0]  }
0x99: {  	v20 =	vld [tilespmem:s6+$0x33E0]  }
0x9a: {  	v60 =	vld [tilespmem:s6+$0x33F0];
	v6 =	vadd.f32 v6, v16  }
0x9b: {  	v21 =	vld [tilespmem:s6+$0x3400];
	v7 =	vadd.f32 v7, v17  }
0x9c: {  	v61 =	vld [tilespmem:s6+$0x3410];
	[tilespmem:s6+$0x33A0] =	vst v6;
	v6 =	vadd.f32 v8, v18  }
0x9d: {  	v62 =	vld [tilespmem:s6+$0x3420];
	[tilespmem:s6+$0x33B0] =	vst v7;
	v7 =	vadd.f32 v9, v19  }
0x9e: {  	v63 =	vld [tilespmem:s6+$0x3430];
	[tilespmem:s6+$0x33C0] =	vst v6;
	v6 =	vadd.f32 v10, v20  }
0x9f: {  	v8 =	vadd.f32 v11, v60;
	[tilespmem:s6+$0x33D0] =	vst v7;
	v7 =	vld [tilespmem:s6+$0x3440]  }
0xa0: {  	v9 =	vadd.f32 v12, v21;
	[tilespmem:s6+$0x33E0] =	vst v6;
	v6 =	vld [tilespmem:s6+$0x3450]  }
0xa1: {  	[tilespmem:s6+$0x33F0] =	vst v8;
	v8 =	vld [tilespmem:s6+$0x3460];
	v10 =	vadd.f32 v13, v61  }
0xa2: {  	v12 =	vadd.f32 v14, v62;
	[tilespmem:s6+$0x3400] =	vst v9;
	v9 =	vld [tilespmem:s6+$0x3470]  }
0xa3: {  	s9 =	simm.s32 $0x400;
	v11 =	vadd.f32 v15, v63;
	[tilespmem:s6+$0x3410] =	vst v10;
	v10 =	vld [tilespmem:s6+$0x3480]  }
.LBB2_5:
0xa4: {  	s12 =	sshra.s32 s9, $0x2;
	p0 =	sne.s32 s9, $0xC400;
	[tilespmem:s6+$0x3420] =	vst v12;
	v5 =	vadd.f32 v5, v7;
	v7 =	vld [tilespmem:s6+$0x3490]  }
0xa5: {  	v12 =	vld [tilespmem:s12+$0x65A0];
	[tilespmem:s6+$0x3430] =	vst v11;
	v4 =	vadd.f32 v4, v6  }
0xa6: {  	v6 =	vld [tilespmem:s12+$0x65B0];
	[tilespmem:s6+$0x3440] =	vst v5;
	v3 =	vadd.f32 v3, v8  }
0xa7: {  	v8 =	vld [tilespmem:s12+$0x65C0];
	[tilespmem:s6+$0x3450] =	vst v4;
	v2 =	vadd.f32 v2, v9  }
0xa8: {  	v9 =	vld [tilespmem:s12+$0x65D0];
	[tilespmem:s6+$0x3460] =	vst v3;
	v1 =	vadd.f32 v1, v10  }
0xa9: {  	v10 =	vld [tilespmem:s12+$0x65E0];
	[tilespmem:s6+$0x3470] =	vst v2;
	v0 =	vadd.f32 v0, v7  }
0xaa: {  	v7 =	vld [tilespmem:s12+$0x65F0];
	[tilespmem:s6+$0x3480] =	vst v1  }
0xab: {  	v11 =	vld [tilespmem:s12+$0x6600];
	[tilespmem:s6+$0x3490] =	vst v0;
	s6 =	smov.u32 s12  }
0xac: {  	v13 =	vld [tilespmem:s6+$0x6610]  }
0xad: {  	v14 =	vld [tilespmem:s6+$0x6620]  }
0xae: {  	v15 =	vld [tilespmem:s6+$0x6630]  }
0xaf: {  	v5 =	vld [tilespmem:s6+$0x6640]  }
0xb0: {  	v4 =	vld [tilespmem:s6+$0x6650]  }
0xb1: {  	v3 =	vld [tilespmem:s6+$0x6660]  }
0xb2: {  	v2 =	vld [tilespmem:s6+$0x6670]  }
0xb3: {  	v1 =	vld [tilespmem:s6+$0x6680]  }
0xb4: {  	v0 =	vld [tilespmem:s6+$0x6690]  }
0xb5: {  	v16 =	vld [tilespmem:s6+$0x33A0]  }
0xb6: {  	v17 =	vld [tilespmem:s6+$0x33B0]  }
0xb7: {  	v18 =	vld [tilespmem:s6+$0x33C0]  }
0xb8: {  	v19 =	vld [tilespmem:s6+$0x33D0]  }
0xb9: {  	v20 =	vld [tilespmem:s6+$0x33E0]  }
0xba: {  	v12 =	vadd.f32 v12, v16;
	v16 =	vld [tilespmem:s6+$0x33F0]  }
0xbb: {  	v6 =	vadd.f32 v6, v17;
	v17 =	vld [tilespmem:s6+$0x3400]  }
0xbc: {  	[tilespmem:s6+$0x33A0] =	vst v12;
	v8 =	vadd.f32 v8, v18;
	v12 =	vld [tilespmem:s6+$0x3410]  }
0xbd: {  	[tilespmem:s6+$0x33B0] =	vst v6;
	v6 =	vadd.f32 v9, v19;
	v9 =	vld [tilespmem:s6+$0x3420]  }
0xbe: {  	[tilespmem:s6+$0x33C0] =	vst v8;
	v8 =	vadd.f32 v10, v20;
	v10 =	vld [tilespmem:s6+$0x3430]  }
.Ltmp1:
0xbf: {  	[tilespmem:s6+$0x33D0] =	vst v6;
	v16 =	vadd.f32 v7, v16;
	v7 =	vld [tilespmem:s6+$0x3440];
	(pc) =	sbr.rel @p0 .LBB2_5-.Ltmp1, $4  }
0xc0: {  	[tilespmem:s6+$0x33E0] =	vst v8;
	v11 =	vadd.f32 v11, v17;
	v6 =	vld [tilespmem:s6+$0x3450]  }
0xc1: {  	[tilespmem:s6+$0x33F0] =	vst v16;
	v13 =	vadd.f32 v13, v12;
	v8 =	vld [tilespmem:s6+$0x3460]  }
0xc2: {  	[tilespmem:s6+$0x3400] =	vst v11;
	v12 =	vadd.f32 v14, v9;
	v9 =	vld [tilespmem:s6+$0x3470]  }
0xc3: {  	s9 =	sadd.s32 $0x400, s9;
	[tilespmem:s6+$0x3410] =	vst v13;
	v11 =	vadd.f32 v15, v10;
	v10 =	vld [tilespmem:s6+$0x3480]  }
0xc4: {  	[tilespmem:s6+$0x3420] =	vst v12;
	v5 =	vadd.f32 v5, v7;
	v63 =	vld [tilespmem:s6+$0x3490]  }
0xc5: {  	[tilespmem:s6+$0x3430] =	vst v11;
	v4 =	vadd.f32 v4, v6  }
0xc6: {  	[tilespmem:s6+$0x3440] =	vst v5;
	v3 =	vadd.f32 v3, v8  }
0xc7: {  	s9 =	sadd.s32 s13, s7;
	[tilespmem:s6+$0x3450] =	vst v4;
	v2 =	vadd.f32 v2, v9  }
0xc8: {  	s9 =	smul.u32 $0xC80, s9;
	[tilespmem:s6+$0x3460] =	vst v3;
	v1 =	vadd.f32 v1, v10  }
0xc9: {  	s12 =	smin.u32 s13, $0x7C;
	[tilespmem:s6+$0x3470] =	vst v2;
	v0 =	vadd.f32 v0, v63  }
0xca: {  	s12 =	sadd.s32 s12, s11;
	s9 =	sadd.s32 s3, s9;
	[tilespmem:s6+$0x3480] =	vst v1  }
0xcb: {  	s12 =	smul.u32 $0x19, s12;
	s9 =	sadd.s32 $0xC80, s9;
	[tilespmem:s6+$0x3490] =	vst v0  }
0xcc: {  	[hbm4b:s9+s26] =	stream.strided.scatter [tilespmem:s22], [sflag:$0x6], $0x3200, s28, s26, $0x38;
	[tilespmem:$0x97A0] =	vst v63  }
0xcd: {  	s13 =	sadd.s32 s1, s12  }
0xce: {  	[tilespmem:s15], [sflag:$0x2] =	stream.linear.gather [hbm4b:s13+s4], $0xC8, $0x38;
	[tilespmem:$0x97A0] =	vst v63  }
0xcf: {  	_ =	swait.ge [sflag:s31], $0x3200  }
0xd0: {  	[sflag:s31] =	ssyncset.done $0x0  }
0xd1: {  	s2 =	sadd.s32 $0x1, s2;
	[sflag:s31] =	ssyncadd.s32 $0xFFFFCE00  }
0xd2: {  	p0 =	sne.s32 s2, $0x40;
	_ =	swait.ge [sflag:s21], $0xC8  }
.Ltmp2:
0xd3: {  	[sflag:s21] =	ssyncset.done $0x0;
	(pc) =	sbr.rel @p0 .LBB2_2-.Ltmp2, $4  }
0xd4: {  	[sflag:s21] =	ssyncadd.s32 $0xFFFFFF38  }
0xd5: {  	[tilespmem:s22], [sflag:$0x4] =	stream.indirect.gather [hbm4b:s5+s17], $0x40, s15, s17, $0xb8;
	[tilespmem:$0x97A0] =	vst v63  }
0xd6: {  	_ = 	snop  }
0xd7: {  	[tilespmem:s24], [sflag:$0x4] =	stream.indirect.gather [hbm4b:s5+s19], $0x40, s23, s19, $0xb8;
	[tilespmem:$0x97A0] =	vst v63  }
0xd8: {  	_ =	swait.ge [sflag:s25], $0x1A00  }
0xd9: {  	[sflag:s25] =	ssyncset.done $0x0  }
0xda: {  	[sflag:s25] =	ssyncadd.s32 $0xFFFFE600  }
0xdb: {  	_ =	swait.ge [sflag:s25], $0x1800  }
0xdc: {  	[sflag:s25] =	ssyncset.done $0x0  }
0xdd: {  	[sflag:s25] =	ssyncadd.s32 $0xFFFFE800  }
0xde: {  	_ =	swait.ge [sflag:s30], $0x1A00  }
0xdf: {  	[sflag:s30] =	ssyncset.done $0x0  }
0xe0: {  	[sflag:s30] =	ssyncadd.s32 $0xFFFFE600  }
0xe1: {  	_ =	swait.ge [sflag:s30], $0x1800  }
0xe2: {  	s0 =	sadd.s32 $0x1, s0;
	s2 =	rddreg [dreg:$0x6]  }
0xe3: {  	p0 =	sne.s32 s0, s2  }
.Ltmp3:
0xe4: {  	_ = 	snop;
	(pc) =	sbr.rel @p0 .LBB2_1-.Ltmp3, $3  }
0xe5: {  	_ =	sdelay $0x1  }
0xe6: {  	[sflag:s30] =	ssyncset.done $0x0  }
0xe7: {  	[sflag:s30] =	ssyncadd.s32 $0xFFFFE800  }
0xe8: {  	_ =	sfence.sel $0x180000  }
0xe9: {  	[bflag:$0x0] =	sbarrier.arrive $0xFFFF  }
0xea: {  	_ =	strace $0x90000047  }
0xeb: {  	s0 =	stileid.u32;
	[bflag:$0x2] =	sbarrier.arrive $0xFFFF  }
0xec: {  	p0 =	sne.s32 s0, $0x0;
	s0 =	rddreg [dreg:$0x3]  }
0xed: {  	s0 =	sadd.s32 @!p0 $0x100000, s0  }
0xee: {  	[sflag:s0] =	ssyncadd.tile.s32 @!p0 $0x1;
	_ =	shalt  }
.Lfunc_end2:
_tile_overlayer_lowered:
.L_overlay_start_2:
0xef: {  	(tag) =	ssettag $0x2  }
0xf0: {  	s0 =	rddreg [dreg:$0x0];
	s2 =	stileid.u32  }
0xf1: {  	s1 =	rddreg [dreg:$0x1];
	p0 =	sne.s32 s2, $0x0  }
0xf2: {  	s3 =	rddreg [dreg:$0x2];
	[bflag:$0x3] =	sbarrier.arrive $0xFFFF;
	s2 =	simm.s32 @!p0 $0x1C07  }
0xf3: {  	[timem:s3], [sflag:s2] =	dma.local @!p0 [hbm:s0], s1  }
0xf4: {  	s0 =	simm.s32 @!p0 $0x7  }
0xf5: {  	_ =	swait.ge @!p0 [sflag:s0], s1  }
0xf6: {  	s1 =	ssub.s32 @!p0 $0x0, s1;
	[sflag:s0] =	ssyncset.done @!p0 $0x0  }
0xf7: {  	[sflag:s0] =	ssyncadd.s32 @!p0 s1  }
0xf8: {  	[bflag:$0x3] =	sbarrier.arrive $0xFFFF  }
0xf9: {  	_ =	shalt  }

</sc_bundles>
